<compile_context>
chip_gen: v7x
topology: tpu7x:2x2x1
jax: 0.10.2.dev20260603
libtpu: 0.0.44.dev20260713+nightly
codegen_flags: <defaults>
</compile_context>

<pallas_src>
import functools

import jax
import jax.numpy as jnp
from jax import lax
from jax.experimental import pallas as pl
from jax.experimental.pallas import tpu as pltpu
from jax.experimental.pallas import tpu_sc as plsc

B = 128
N = 32768
LANES = 16
CHUNKS = N // LANES
NUM_WORKERS = 32
ROWS_PER_WORKER = B // NUM_WORKERS
N_MICHELOT = 10
MICH_UNROLL = 4
ACCS = 8
PREVIEW_STRIDE = 16
NEG_BIG = -3.0e38
CBUF_WORDS = 131008 - 3 * N
CAND_CAP = CBUF_WORDS - MICH_UNROLL * LANES - LANES

_mesh = plsc.VectorSubcoreMesh(core_axis_name="c", subcore_axis_name="s")

def _zero():
    return jnp.zeros((LANES,), jnp.float32)


def _negbig():
    return jnp.full((LANES,), NEG_BIG)


def _splat_last(x):
    idx = jnp.full((LANES,), LANES - 1, jnp.int32)
    return x[idx]


def _preview(buf, base):

    @plsc.parallel_loop(
        0, CHUNKS // PREVIEW_STRIDE, unroll=ACCS, carry=_negbig()
    )
    def preview_body(i, pm):
        return jnp.maximum(
            pm, buf[pl.ds(base + i * PREVIEW_STRIDE * LANES, LANES)]
        )

    return _splat_last(plsc.cummax(preview_body)) - 1.0


def _out_and_fused(buf, base_out, tau_v, base_in, th0_v, cbuf, merge):

    ones_v = jnp.ones((LANES,), jnp.int32)
    cap_v = jnp.full((LANES,), CAND_CAP, jnp.int32)

    @plsc.parallel_loop(
        0, CHUNKS, unroll=ACCS, carry=jnp.full((LANES,), -1, jnp.int32)
    )
    def body(i, off_v):
        if merge:
            va = buf[pl.ds(base_out + i * LANES, LANES)]
            buf[pl.ds(base_out + i * LANES, LANES)] = jnp.maximum(
                va - tau_v, 0.0
            )
        v = buf[pl.ds(base_in + i * LANES, LANES)]
        g = v > th0_v
        ps = plsc.cumsum(ones_v, mask=g)
        plsc.store_scatter(
            cbuf, [jnp.minimum(off_v + ps, cap_v)], v, mask=g
        )
        return off_v + plsc.all_reduce_population_count(g)

    m1 = jnp.minimum(body[0] + 1, CAND_CAP)
    for j in range(MICH_UNROLL):
        cbuf[pl.ds(m1 + j * LANES, LANES)] = _negbig()
    return m1


def _tau_for_row(cbuf, m1):
    ones_v = jnp.ones((LANES,), jnp.int32)
    nch1 = (jnp.right_shift(m1, 4) + MICH_UNROLL) & ~(MICH_UNROLL - 1)

    @plsc.parallel_loop(0, nch1, unroll=MICH_UNROLL, carry=_negbig())
    def cmax_body(i, mx):
        return jnp.maximum(mx, cbuf[pl.ds(i * LANES, LANES)])

    thresh_v = _splat_last(plsc.cummax(cmax_body)) - 1.0

    def c2_body(i, off2_v):
        v = cbuf[pl.ds(i * LANES, LANES)]
        g = v > thresh_v
        ps = plsc.cumsum(ones_v, mask=g)
        plsc.store_scatter(cbuf, [off2_v + ps], v, mask=g)
        return off2_v + plsc.all_reduce_population_count(g)

    off2_v = lax.fori_loop(0, nch1, c2_body, jnp.full((LANES,), -1, jnp.int32))
    m = off2_v[0] + 1
    for j in range(MICH_UNROLL):
        cbuf[pl.ds(m + j * LANES, LANES)] = _negbig()
    nch = (jnp.right_shift(m, 4) + MICH_UNROLL) & ~(MICH_UNROLL - 1)

    def mich_body(t, tau_v):
        @plsc.parallel_loop(0, nch, unroll=MICH_UNROLL, carry=(_zero(), _zero()))
        def ks_body(i, kc):
            ka, sa = kc
            v = cbuf[pl.ds(i * LANES, LANES)]
            g = v > tau_v
            return (
                ka + jnp.where(g, 1.0, 0.0),
                sa + jnp.where(g, v, 0.0),
            )

        ka, sa = ks_body
        k = jnp.maximum(_splat_last(plsc.cumsum(ka)), 1.0)
        s = _splat_last(plsc.cumsum(sa))
        return (s - 1.0) / k

    return lax.fori_loop(0, N_MICHELOT, mich_body, _negbig())


@functools.partial(
    pl.kernel,
    mesh=_mesh,
    out_type=jax.ShapeDtypeStruct((B, N), jnp.float32),
    scratch_types=[
        pltpu.VMEM((3 * N,), jnp.float32),
        pltpu.VMEM((CBUF_WORDS,), jnp.float32),
        pltpu.SemaphoreType.DMA,
        pltpu.SemaphoreType.DMA,
    ],
    compiler_params=pltpu.CompilerParams(needs_layout_passes=False),
)
def _sparsemax_sc(x_hbm, out_hbm, buf, cbuf, gsem, ssem):
    cid = lax.axis_index("c")
    sid = lax.axis_index("s")
    wid = sid * 2 + cid
    row0 = wid * ROWS_PER_WORKER

    def gather(r, b):
        return pltpu.make_async_copy(
            x_hbm.at[row0 + r], buf.at[pl.ds(b, N)], gsem
        )

    def scatter(r, b):
        return pltpu.make_async_copy(
            buf.at[pl.ds(b, N)], out_hbm.at[row0 + r], ssem
        )

    gather(0, 0).start()
    gather(0, 0).wait()
    gather(1, N).start()
    th0 = _preview(buf, 0)
    m1_0 = _out_and_fused(buf, 0, _zero(), 0, th0, cbuf, merge=False)

    def row_body(r, m1):
        ba = jnp.remainder(r, 3) * N
        bb = jnp.remainder(r + 1, 3) * N
        bc = jnp.remainder(r + 2, 3) * N
        tau_v = _tau_for_row(cbuf, m1)

        @pl.when(r >= 1)
        def _():
            scatter(r - 1, bc).wait()

        gather(r + 1, bb).wait()

        @pl.when(r + 2 < ROWS_PER_WORKER)
        def _():
            gather(r + 2, bc).start()

        th0_next = _preview(buf, bb)
        m1n = _out_and_fused(buf, ba, tau_v, bb, th0_next, cbuf, merge=True)
        scatter(r, ba).start()
        return m1n

    m1 = lax.fori_loop(0, ROWS_PER_WORKER - 1, row_body, m1_0)

    LAST = ROWS_PER_WORKER - 1
    b_last = (LAST % 3) * N
    tau_v = _tau_for_row(cbuf, m1)

    @plsc.parallel_loop(0, CHUNKS, unroll=ACCS)
    def out_body(i):
        v = buf[pl.ds(b_last + i * LANES, LANES)]
        buf[pl.ds(b_last + i * LANES, LANES)] = jnp.maximum(v - tau_v, 0.0)

    scatter(LAST, b_last).start()
    scatter(LAST - 1, ((LAST - 1) % 3) * N).wait()
    scatter(LAST, b_last).wait()


def kernel(input):
    return _sparsemax_sc(input)

# --- scband reference (transcript-rebuilt; emitter-appended) ---
"""Pipeline reference for scband-sparsemax-171798691846 (READ-ONLY COPY).

The authoritative reference and input builder live on the scoring server;
editing this copy changes nothing except your own understanding.
"""

import jax, jax.numpy as jnp
import numpy as np


def _sparsemax_last_axis(x):
    # shift for numerical stability (matches torch: input - max)
    x = x - jnp.max(x, axis=-1, keepdims=True)
    n = x.shape[-1]
    # descending sort
    zs = -jnp.sort(-x, axis=-1)
    r = jnp.arange(1, n + 1, dtype=x.dtype)
    r = jnp.broadcast_to(r, zs.shape)
    bound = 1.0 + r * zs
    cumulative_sum_zs = jnp.cumsum(zs, axis=-1)
    is_gt = (bound > cumulative_sum_zs).astype(x.dtype)
    k = jnp.max(is_gt * r, axis=-1, keepdims=True)
    zs_sparse = is_gt * zs
    taus = (jnp.sum(zs_sparse, axis=-1, keepdims=True) - 1.0) / k
    return jnp.maximum(jnp.zeros_like(x), x - taus)


def setup_inputs(seed: int = 0) -> dict:
    key = jax.random.key(seed)
    inp = jax.random.normal(key, (128, 32768), dtype=jnp.float32)
    return {"input": inp}


def reference(input):
    # dim=-1 on a 2D [B, N] tensor: the torch module's transpose/reshape dance
    # ([B,N] -> [N,B] -> [B,N] per-row sparsemax -> [N,B] -> [B,N]) is equivalent
    # to applying sparsemax along the last axis.
    return _sparsemax_last_axis(input)

if __name__ == "__main__":
    import jax
    _d = setup_inputs()
    print(jax.jit(kernel)(*tuple(_d.values())))

</pallas_src>

<mosaic_0001>
#map = affine_map<(d0, d1) -> (0, 0)>
module attributes {stable_mosaic.version = 14 : i64} {
  func.func @_sparsemax_sc(%arg0: i32, %arg1: i32, %arg2: memref<128x32768xf32, #tpu.memory_space<hbm>>, %arg3: memref<128x32768xf32, #tpu.memory_space<hbm>>, %arg4: memref<98304xf32, #tpu.memory_space<vmem>>, %arg5: memref<32704xf32, #tpu.memory_space<vmem>>, %arg6: memref<!tpu.dma_semaphore, #tpu.memory_space<semaphore_mem>>, %arg7: memref<!tpu.dma_semaphore, #tpu.memory_space<semaphore_mem>>) attributes {dimension_semantics = [#tpu.dimension_semantics<core_parallel>, #tpu.dimension_semantics<subcore_parallel>], iteration_bounds = array<i64: 2, 16>, scalar_prefetch = 0 : i64, scratch_operands = 4 : i64, tpu.core_type = #tpu.core_type<sc_vector_subcore>, window_params = [{transform_indices = #map}, {transform_indices = #map}]} {
    %mul3A = arith.constant 2 : i32
    %mul3A_0 = arith.muli %arg1, %mul3A : i32
    %add3A = arith.addi %mul3A_0, %arg0 : i32
    %mul3A_1 = arith.constant 4 : i32
    %mul3A_2 = arith.muli %add3A, %mul3A_1 : i32
    %add3A_3 = arith.constant 0 : i32
    %add3A_4 = arith.addi %mul3A_2, %add3A_3 : i32
    %dma_start3A = arith.constant 0 : i32
    %dma_start3A_5 = tpu.memref_slice %arg4[%dma_start3A] : memref<98304xf32, #tpu.memory_space<vmem>> -> memref<32768xf32, #tpu.memory_space<vmem>>
    %dma_start3A_6 = arith.constant 0 : i32
    %dma_start3A_7 = tpu.memref_slice %arg2[%add3A_4, %dma_start3A_6] : memref<128x32768xf32, #tpu.memory_space<hbm>> -> memref<1x32768xf32, #tpu.memory_space<hbm>>
    %dma_start3A_8 = tpu.memref_squeeze %dma_start3A_7 : memref<1x32768xf32, #tpu.memory_space<hbm>> -> memref<32768xf32, #tpu.memory_space<hbm>>
    %dma_start3A_9 = arith.constant 0 : i32
    %dma_start3A_10 = tpu.memref_slice %arg4[%dma_start3A_9] : memref<98304xf32, #tpu.memory_space<vmem>> -> memref<32768xf32, #tpu.memory_space<vmem>>
    %dma_start3A_11 = arith.constant 0 : i32
    %dma_start3A_12 = tpu.memref_slice %arg2[%add3A_4, %dma_start3A_11] : memref<128x32768xf32, #tpu.memory_space<hbm>> -> memref<1x32768xf32, #tpu.memory_space<hbm>>
    %dma_start3A_13 = tpu.memref_squeeze %dma_start3A_12 : memref<1x32768xf32, #tpu.memory_space<hbm>> -> memref<32768xf32, #tpu.memory_space<hbm>>
    tpu.enqueue_dma source(%dma_start3A_13 : memref<32768xf32, #tpu.memory_space<hbm>>) target(%dma_start3A_10 : memref<32768xf32, #tpu.memory_space<vmem>>) target_semaphore(%arg6 : memref<!tpu.dma_semaphore, #tpu.memory_space<semaphore_mem>>)
    %add3A_14 = arith.constant 0 : i32
    %add3A_15 = arith.addi %mul3A_2, %add3A_14 : i32
    %dma_wait3A = arith.constant 0 : i32
    %dma_wait3A_16 = tpu.memref_slice %arg4[%dma_wait3A] : memref<98304xf32, #tpu.memory_space<vmem>> -> memref<32768xf32, #tpu.memory_space<vmem>>
    %dma_wait3A_17 = arith.constant 0 : i32
    %dma_wait3A_18 = tpu.memref_slice %arg2[%add3A_15, %dma_wait3A_17] : memref<128x32768xf32, #tpu.memory_space<hbm>> -> memref<1x32768xf32, #tpu.memory_space<hbm>>
    %dma_wait3A_19 = tpu.memref_squeeze %dma_wait3A_18 : memref<1x32768xf32, #tpu.memory_space<hbm>> -> memref<32768xf32, #tpu.memory_space<hbm>>
    %dma_wait3A_20 = arith.constant 0 : i32
    %dma_wait3A_21 = tpu.memref_slice %arg4[%dma_wait3A_20] : memref<98304xf32, #tpu.memory_space<vmem>> -> memref<32768xf32, #tpu.memory_space<vmem>>
    %dma_wait3A_22 = arith.constant 0 : i32
    %dma_wait3A_23 = tpu.memref_slice %arg2[%add3A_15, %dma_wait3A_22] : memref<128x32768xf32, #tpu.memory_space<hbm>> -> memref<1x32768xf32, #tpu.memory_space<hbm>>
    %dma_wait3A_24 = tpu.memref_squeeze %dma_wait3A_23 : memref<1x32768xf32, #tpu.memory_space<hbm>> -> memref<32768xf32, #tpu.memory_space<hbm>>
    tpu.wait_dma2 semaphore(%arg6 : memref<!tpu.dma_semaphore, #tpu.memory_space<semaphore_mem>>) src(%dma_wait3A_24 : memref<32768xf32, #tpu.memory_space<hbm>>) dst(%dma_wait3A_21 : memref<32768xf32, #tpu.memory_space<vmem>>)
    %add3A_25 = arith.constant 1 : i32
    %add3A_26 = arith.addi %mul3A_2, %add3A_25 : i32
    %dma_start3A_27 = arith.constant 32768 : i32
    %dma_start3A_28 = tpu.memref_slice %arg4[%dma_start3A_27] : memref<98304xf32, #tpu.memory_space<vmem>> -> memref<32768xf32, #tpu.memory_space<vmem>>
    %dma_start3A_29 = arith.constant 0 : i32
    %dma_start3A_30 = tpu.memref_slice %arg2[%add3A_26, %dma_start3A_29] : memref<128x32768xf32, #tpu.memory_space<hbm>> -> memref<1x32768xf32, #tpu.memory_space<hbm>>
    %dma_start3A_31 = tpu.memref_squeeze %dma_start3A_30 : memref<1x32768xf32, #tpu.memory_space<hbm>> -> memref<32768xf32, #tpu.memory_space<hbm>>
    %dma_start3A_32 = arith.constant 32768 : i32
    %dma_start3A_33 = tpu.memref_slice %arg4[%dma_start3A_32] : memref<98304xf32, #tpu.memory_space<vmem>> -> memref<32768xf32, #tpu.memory_space<vmem>>
    %dma_start3A_34 = arith.constant 0 : i32
    %dma_start3A_35 = tpu.memref_slice %arg2[%add3A_26, %dma_start3A_34] : memref<128x32768xf32, #tpu.memory_space<hbm>> -> memref<1x32768xf32, #tpu.memory_space<hbm>>
    %dma_start3A_36 = tpu.memref_squeeze %dma_start3A_35 : memref<1x32768xf32, #tpu.memory_space<hbm>> -> memref<32768xf32, #tpu.memory_space<hbm>>
    tpu.enqueue_dma source(%dma_start3A_36 : memref<32768xf32, #tpu.memory_space<hbm>>) target(%dma_start3A_33 : memref<32768xf32, #tpu.memory_space<vmem>>) target_semaphore(%arg6 : memref<!tpu.dma_semaphore, #tpu.memory_space<semaphore_mem>>)
    %broadcast_in_dim3A = arith.constant -3.000000e+38 : f32
    %broadcast_in_dim3A_37 = vector.broadcast %broadcast_in_dim3A : f32 to vector<16xf32>
    %parallel_loop3A = arith.constant 0 : i32
    %parallel_loop3A_38 = arith.constant 128 : i32
    %parallel_loop3A_39 = arith.constant 1 : i32
    %parallel_loop3A_40 = scf.for %parallel_loop3A_219 = %parallel_loop3A to %parallel_loop3A_38 step %parallel_loop3A_39 iter_args(%parallel_loop3A_220 = %broadcast_in_dim3A_37) -> (vector<16xf32>)  : i32 {
      %parallel_loop3A_221 = arith.constant 16 : i32
      %parallel_loop3A_222 = arith.muli %parallel_loop3A_219, %parallel_loop3A_221 : i32
      %parallel_loop3A_223 = arith.constant 16 : i32
      %parallel_loop3A_224 = arith.muli %parallel_loop3A_222, %parallel_loop3A_223 : i32
      %parallel_loop3A_225 = arith.constant 0 : i32
      %parallel_loop3A_226 = arith.addi %parallel_loop3A_225, %parallel_loop3A_224 : i32
      %parallel_loop3A_227 = arith.index_cast %parallel_loop3A_226 : i32 to index
      %parallel_loop3A_228 = tpu.vector_load %arg4[%parallel_loop3A_227] {strides = array<i32>} : memref<98304xf32, #tpu.memory_space<vmem>>, vector<16xf32>,
      %parallel_loop3A_229 = arith.maximumf %parallel_loop3A_220, %parallel_loop3A_228 : vector<16xf32>
      scf.yield %parallel_loop3A_229 : vector<16xf32>
    } {sc.loop_unroll_factor = 8 : i64, sc.parallel_access}
    %broadcast_in_dim3A_41 = arith.constant true
    %broadcast_in_dim3A_42 = vector.broadcast %broadcast_in_dim3A_41 : i1 to vector<16xi1>
    %masked_cummax3A = tpu.scan <max>, %parallel_loop3A_40 masked %broadcast_in_dim3A_42 : vector<16xf32>, vector<16xi1> -> vector<16xf32>
    %broadcast_in_dim3A_43 = arith.constant 15 : i32
    %broadcast_in_dim3A_44 = vector.broadcast %broadcast_in_dim3A_43 : i32 to vector<16xi32>
    %lt3A = arith.constant 0 : i32
    %lt3A_45 = vector.broadcast %lt3A : i32 to vector<16xi32>
    %lt3A_46 = arith.cmpi slt, %broadcast_in_dim3A_44, %lt3A_45 : vector<16xi32>
    %add3A_47 = arith.constant 16 : i32
    %add3A_48 = vector.broadcast %add3A_47 : i32 to vector<16xi32>
    %add3A_49 = arith.addi %broadcast_in_dim3A_44, %add3A_48 : vector<16xi32>
    %select_n3A = arith.select %lt3A_46, %add3A_49, %broadcast_in_dim3A_44 : vector<16xi1>, vector<16xi32>
    %broadcast_in_dim3A_50 = vector.shape_cast %select_n3A : vector<16xi32> to vector<16x1xi32>
    %gather3A = vector.shape_cast %broadcast_in_dim3A_50 : vector<16x1xi32> to vector<16xi32>
    %gather3A_51 = tpu.dynamic_gather %masked_cummax3A[%gather3A] in [0] : vector<16xf32>, vector<16xi32> -> vector<16xf32>
    %sub3A = arith.constant 1.000000e+00 : f32
    %sub3A_52 = vector.broadcast %sub3A : f32 to vector<16xf32>
    %sub3A_53 = arith.subf %gather3A_51, %sub3A_52 : vector<16xf32>
    %broadcast_in_dim3A_54 = arith.constant 0.000000e+00 : f32
    %broadcast_in_dim3A_55 = vector.broadcast %broadcast_in_dim3A_54 : f32 to vector<16xf32>
    %broadcast_in_dim3A_56 = arith.constant 1 : i32
    %broadcast_in_dim3A_57 = vector.broadcast %broadcast_in_dim3A_56 : i32 to vector<16xi32>
    %broadcast_in_dim3A_58 = arith.constant 32624 : i32
    %broadcast_in_dim3A_59 = vector.broadcast %broadcast_in_dim3A_58 : i32 to vector<16xi32>
    %broadcast_in_dim3A_60 = arith.constant -1 : i32
    %broadcast_in_dim3A_61 = vector.broadcast %broadcast_in_dim3A_60 : i32 to vector<16xi32>
    %parallel_loop3A_62 = arith.constant 0 : i32
    %parallel_loop3A_63 = arith.constant 2048 : i32
    %parallel_loop3A_64 = arith.constant 1 : i32
    %parallel_loop3A_65 = scf.for %parallel_loop3A_219 = %parallel_loop3A_62 to %parallel_loop3A_63 step %parallel_loop3A_64 iter_args(%parallel_loop3A_220 = %broadcast_in_dim3A_61) -> (vector<16xi32>)  : i32 {
      %parallel_loop3A_221 = arith.constant 16 : i32
      %parallel_loop3A_222 = arith.muli %parallel_loop3A_219, %parallel_loop3A_221 : i32
      %parallel_loop3A_223 = arith.constant 0 : i32
      %parallel_loop3A_224 = arith.addi %parallel_loop3A_223, %parallel_loop3A_222 : i32
      %parallel_loop3A_225 = arith.index_cast %parallel_loop3A_224 : i32 to index
      %parallel_loop3A_226 = tpu.vector_load %arg4[%parallel_loop3A_225] {strides = array<i32>} : memref<98304xf32, #tpu.memory_space<vmem>>, vector<16xf32>,
      %parallel_loop3A_227 = arith.cmpf ogt, %parallel_loop3A_226, %sub3A_53 : vector<16xf32>
      %parallel_loop3A_228 = tpu.scan <sum>, %broadcast_in_dim3A_57 masked %parallel_loop3A_227 : vector<16xi32>, vector<16xi1> -> vector<16xi32>
      %parallel_loop3A_229 = arith.addi %parallel_loop3A_220, %parallel_loop3A_228 : vector<16xi32>
      %parallel_loop3A_230 = arith.minsi %parallel_loop3A_229, %broadcast_in_dim3A_59 : vector<16xi32>
      tpu.vector_store_idx %arg5[%parallel_loop3A_230], %parallel_loop3A_226 masked %parallel_loop3A_227 : memref<32704xf32, #tpu.memory_space<vmem>>[vector<16xi32>], vector<16xf32>, vector<16xi1>
      %parallel_loop3A_231 = tpu.all_reduce %parallel_loop3A_227 {dim = 0 : i64, kind = #tpu.reduction_kind<sum>} : vector<16xi1> -> vector<16xi32>
      %parallel_loop3A_232 = arith.addi %parallel_loop3A_220, %parallel_loop3A_231 : vector<16xi32>
      scf.yield %parallel_loop3A_232 : vector<16xi32>
    } {sc.loop_unroll_factor = 8 : i64, sc.parallel_access}
    %slice3A = vector.extract_strided_slice %parallel_loop3A_65 {offsets = [0], sizes = [1], strides = [1]} : vector<16xi32> to vector<1xi32>
    %squeeze3A = vector.extract %slice3A[0] : i32 from vector<1xi32>
    %add3A_66 = arith.constant 1 : i32
    %add3A_67 = arith.addi %squeeze3A, %add3A_66 : i32
    %min3A = arith.constant 32624 : i32
    %min3A_68 = arith.minsi %add3A_67, %min3A : i32
    %broadcast_in_dim3A_69 = arith.constant -3.000000e+38 : f32
    %broadcast_in_dim3A_70 = vector.broadcast %broadcast_in_dim3A_69 : f32 to vector<16xf32>
    %add3A_71 = arith.constant 0 : i32
    %add3A_72 = arith.addi %min3A_68, %add3A_71 : i32
    %swap3A = arith.index_cast %add3A_72 : i32 to index
    %swap3A_73 = tpu.vector_load %arg5[%swap3A] {strides = array<i32>} : memref<32704xf32, #tpu.memory_space<vmem>>, vector<16xf32>,
    tpu.vector_store %arg5[%swap3A], %broadcast_in_dim3A_70 {strides = array<i32>} : memref<32704xf32, #tpu.memory_space<vmem>>, vector<16xf32>,
    %broadcast_in_dim3A_74 = arith.constant -3.000000e+38 : f32
    %broadcast_in_dim3A_75 = vector.broadcast %broadcast_in_dim3A_74 : f32 to vector<16xf32>
    %add3A_76 = arith.constant 16 : i32
    %add3A_77 = arith.addi %min3A_68, %add3A_76 : i32
    %swap3A_78 = arith.index_cast %add3A_77 : i32 to index
    %swap3A_79 = tpu.vector_load %arg5[%swap3A_78] {strides = array<i32>} : memref<32704xf32, #tpu.memory_space<vmem>>, vector<16xf32>,
    tpu.vector_store %arg5[%swap3A_78], %broadcast_in_dim3A_75 {strides = array<i32>} : memref<32704xf32, #tpu.memory_space<vmem>>, vector<16xf32>,
    %broadcast_in_dim3A_80 = arith.constant -3.000000e+38 : f32
    %broadcast_in_dim3A_81 = vector.broadcast %broadcast_in_dim3A_80 : f32 to vector<16xf32>
    %add3A_82 = arith.constant 32 : i32
    %add3A_83 = arith.addi %min3A_68, %add3A_82 : i32
    %swap3A_84 = arith.index_cast %add3A_83 : i32 to index
    %swap3A_85 = tpu.vector_load %arg5[%swap3A_84] {strides = array<i32>} : memref<32704xf32, #tpu.memory_space<vmem>>, vector<16xf32>,
    tpu.vector_store %arg5[%swap3A_84], %broadcast_in_dim3A_81 {strides = array<i32>} : memref<32704xf32, #tpu.memory_space<vmem>>, vector<16xf32>,
    %broadcast_in_dim3A_86 = arith.constant -3.000000e+38 : f32
    %broadcast_in_dim3A_87 = vector.broadcast %broadcast_in_dim3A_86 : f32 to vector<16xf32>
    %add3A_88 = arith.constant 48 : i32
    %add3A_89 = arith.addi %min3A_68, %add3A_88 : i32
    %swap3A_90 = arith.index_cast %add3A_89 : i32 to index
    %swap3A_91 = tpu.vector_load %arg5[%swap3A_90] {strides = array<i32>} : memref<32704xf32, #tpu.memory_space<vmem>>, vector<16xf32>,
    tpu.vector_store %arg5[%swap3A_90], %broadcast_in_dim3A_87 {strides = array<i32>} : memref<32704xf32, #tpu.memory_space<vmem>>, vector<16xf32>,
    %scan3A = arith.constant 0 : i32
    %scan3A_92 = arith.constant 3 : i32
    %scan3A_93 = arith.addi %scan3A, %scan3A_92 : i32
    %scan3A_94 = arith.constant 1 : i32
    %scan3A_95 = scf.for %scan3A_219 = %scan3A to %scan3A_93 step %scan3A_94 iter_args(%scan3A_220 = %min3A_68) -> (i32)  : i32 {
      %jit3A = arith.constant 3 : i32
      %eq3A = arith.constant 0 : i32
      %eq3A_221 = arith.cmpi eq, %jit3A, %eq3A : i32
      %jit3A_222 = arith.constant 1 : i32
      %select_n3A_223 = arith.select %eq3A_221, %jit3A_222, %jit3A : i32
      %rem3A = arith.remsi %scan3A_219, %select_n3A_223 : i32
      %ne3A = arith.constant 0 : i32
      %ne3A_224 = arith.cmpi ne, %rem3A, %ne3A : i32
      %lt3A_225 = arith.constant 0 : i32
      %lt3A_226 = arith.cmpi slt, %rem3A, %lt3A_225 : i32
      %lt3A_227 = arith.constant 0 : i32
      %lt3A_228 = arith.cmpi slt, %select_n3A_223, %lt3A_227 : i32
      %ne3A_229 = arith.xori %lt3A_226, %lt3A_228 : i1
      %and3A_230 = arith.andi %ne3A_229, %ne3A_224 : i1
      %add3A_231 = arith.addi %rem3A, %select_n3A_223 : i32
      %select_n3A_232 = arith.select %and3A_230, %add3A_231, %rem3A : i32
      %mul3A_233 = arith.constant 32768 : i32
      %mul3A_234 = arith.muli %select_n3A_232, %mul3A_233 : i32
      %add3A_235 = arith.constant 1 : i32
      %add3A_236 = arith.addi %scan3A_219, %add3A_235 : i32
      %jit3A_237 = arith.constant 3 : i32
      %eq3A_238 = arith.constant 0 : i32
      %eq3A_239 = arith.cmpi eq, %jit3A_237, %eq3A_238 : i32
      %jit3A_240 = arith.constant 1 : i32
      %select_n3A_241 = arith.select %eq3A_239, %jit3A_240, %jit3A_237 : i32
      %rem3A_242 = arith.remsi %add3A_236, %select_n3A_241 : i32
      %ne3A_243 = arith.constant 0 : i32
      %ne3A_244 = arith.cmpi ne, %rem3A_242, %ne3A_243 : i32
      %lt3A_245 = arith.constant 0 : i32
      %lt3A_246 = arith.cmpi slt, %rem3A_242, %lt3A_245 : i32
      %lt3A_247 = arith.constant 0 : i32
      %lt3A_248 = arith.cmpi slt, %select_n3A_241, %lt3A_247 : i32
      %ne3A_249 = arith.xori %lt3A_246, %lt3A_248 : i1
      %and3A_250 = arith.andi %ne3A_249, %ne3A_244 : i1
      %add3A_251 = arith.addi %rem3A_242, %select_n3A_241 : i32
      %select_n3A_252 = arith.select %and3A_250, %add3A_251, %rem3A_242 : i32
      %mul3A_253 = arith.constant 32768 : i32
      %mul3A_254 = arith.muli %select_n3A_252, %mul3A_253 : i32
      %add3A_255 = arith.constant 2 : i32
      %add3A_256 = arith.addi %scan3A_219, %add3A_255 : i32
      %jit3A_257 = arith.constant 3 : i32
      %eq3A_258 = arith.constant 0 : i32
      %eq3A_259 = arith.cmpi eq, %jit3A_257, %eq3A_258 : i32
      %jit3A_260 = arith.constant 1 : i32
      %select_n3A_261 = arith.select %eq3A_259, %jit3A_260, %jit3A_257 : i32
      %rem3A_262 = arith.remsi %add3A_256, %select_n3A_261 : i32
      %ne3A_263 = arith.constant 0 : i32
      %ne3A_264 = arith.cmpi ne, %rem3A_262, %ne3A_263 : i32
      %lt3A_265 = arith.constant 0 : i32
      %lt3A_266 = arith.cmpi slt, %rem3A_262, %lt3A_265 : i32
      %lt3A_267 = arith.constant 0 : i32
      %lt3A_268 = arith.cmpi slt, %select_n3A_261, %lt3A_267 : i32
      %ne3A_269 = arith.xori %lt3A_266, %lt3A_268 : i1
      %and3A_270 = arith.andi %ne3A_269, %ne3A_264 : i1
      %add3A_271 = arith.addi %rem3A_262, %select_n3A_261 : i32
      %select_n3A_272 = arith.select %and3A_270, %add3A_271, %rem3A_262 : i32
      %mul3A_273 = arith.constant 32768 : i32
      %mul3A_274 = arith.muli %select_n3A_272, %mul3A_273 : i32
      %broadcast_in_dim3A_275 = arith.constant 1 : i32
      %broadcast_in_dim3A_276 = vector.broadcast %broadcast_in_dim3A_275 : i32 to vector<16xi32>
      %shift_right_arithmetic3A_277 = arith.constant 4 : i32
      %shift_right_arithmetic3A_278 = arith.shrsi %scan3A_220, %shift_right_arithmetic3A_277 : i32
      %add3A_279 = arith.constant 4 : i32
      %add3A_280 = arith.addi %shift_right_arithmetic3A_278, %add3A_279 : i32
      %and3A_281 = arith.constant -4 : i32
      %and3A_282 = arith.andi %add3A_280, %and3A_281 : i32
      %broadcast_in_dim3A_283 = arith.constant -3.000000e+38 : f32
      %broadcast_in_dim3A_284 = vector.broadcast %broadcast_in_dim3A_283 : f32 to vector<16xf32>
      %parallel_loop3A_285 = arith.constant 0 : i32
      %parallel_loop3A_286 = arith.constant 1 : i32
      %parallel_loop3A_287 = scf.for %parallel_loop3A_454 = %parallel_loop3A_285 to %and3A_282 step %parallel_loop3A_286 iter_args(%parallel_loop3A_455 = %broadcast_in_dim3A_284) -> (vector<16xf32>)  : i32 {
        %parallel_loop3A_456 = arith.constant 16 : i32
        %parallel_loop3A_457 = arith.muli %parallel_loop3A_454, %parallel_loop3A_456 : i32
        %parallel_loop3A_458 = arith.index_cast %parallel_loop3A_457 : i32 to index
        %parallel_loop3A_459 = tpu.vector_load %arg5[%parallel_loop3A_458] {strides = array<i32>} : memref<32704xf32, #tpu.memory_space<vmem>>, vector<16xf32>,
        %parallel_loop3A_460 = arith.maximumf %parallel_loop3A_455, %parallel_loop3A_459 : vector<16xf32>
        scf.yield %parallel_loop3A_460 : vector<16xf32>
      } {sc.loop_unroll_factor = 4 : i64, sc.parallel_access}
      %broadcast_in_dim3A_288 = arith.constant true
      %broadcast_in_dim3A_289 = vector.broadcast %broadcast_in_dim3A_288 : i1 to vector<16xi1>
      %masked_cummax3A_290 = tpu.scan <max>, %parallel_loop3A_287 masked %broadcast_in_dim3A_289 : vector<16xf32>, vector<16xi1> -> vector<16xf32>
      %broadcast_in_dim3A_291 = arith.constant 15 : i32
      %broadcast_in_dim3A_292 = vector.broadcast %broadcast_in_dim3A_291 : i32 to vector<16xi32>
      %lt3A_293 = arith.constant 0 : i32
      %lt3A_294 = vector.broadcast %lt3A_293 : i32 to vector<16xi32>
      %lt3A_295 = arith.cmpi slt, %broadcast_in_dim3A_292, %lt3A_294 : vector<16xi32>
      %add3A_296 = arith.constant 16 : i32
      %add3A_297 = vector.broadcast %add3A_296 : i32 to vector<16xi32>
      %add3A_298 = arith.addi %broadcast_in_dim3A_292, %add3A_297 : vector<16xi32>
      %select_n3A_299 = arith.select %lt3A_295, %add3A_298, %broadcast_in_dim3A_292 : vector<16xi1>, vector<16xi32>
      %broadcast_in_dim3A_300 = vector.shape_cast %select_n3A_299 : vector<16xi32> to vector<16x1xi32>
      %gather3A_301 = vector.shape_cast %broadcast_in_dim3A_300 : vector<16x1xi32> to vector<16xi32>
      %gather3A_302 = tpu.dynamic_gather %masked_cummax3A_290[%gather3A_301] in [0] : vector<16xf32>, vector<16xi32> -> vector<16xf32>
      %sub3A_303 = arith.constant 1.000000e+00 : f32
      %sub3A_304 = vector.broadcast %sub3A_303 : f32 to vector<16xf32>
      %sub3A_305 = arith.subf %gather3A_302, %sub3A_304 : vector<16xf32>
      %broadcast_in_dim3A_306 = arith.constant -1 : i32
      %broadcast_in_dim3A_307 = vector.broadcast %broadcast_in_dim3A_306 : i32 to vector<16xi32>
      %while3A_308 = arith.constant 0 : i32
      %while3A_309 = arith.subi %and3A_282, %while3A_308 : i32
      %while3A_310 = arith.addi %while3A_308, %while3A_309 : i32
      %while3A_311 = arith.constant 1 : i32
      %while3A_312 = arith.divsi %while3A_309, %while3A_311 : i32
      %while3A_313 = arith.muli %while3A_312, %while3A_311 : i32
      %while3A_314 = arith.addi %while3A_308, %while3A_313 : i32
      %while3A_315 = arith.constant 1 : i32
      %while3A_316 = scf.for %while3A_454 = %while3A_308 to %while3A_314 step %while3A_315 iter_args(%while3A_455 = %broadcast_in_dim3A_307) -> (vector<16xi32>)  : i32 {
        %mul3A_456 = arith.constant 16 : i32
        %mul3A_457 = arith.muli %while3A_454, %mul3A_456 : i32
        %get3A = arith.index_cast %mul3A_457 : i32 to index
        %get3A_458 = tpu.vector_load %arg5[%get3A] {strides = array<i32>} : memref<32704xf32, #tpu.memory_space<vmem>>, vector<16xf32>,
        %gt3A = arith.cmpf ogt, %get3A_458, %sub3A_305 : vector<16xf32>
        %masked_cumsum3A = tpu.scan <sum>, %broadcast_in_dim3A_276 masked %gt3A : vector<16xi32>, vector<16xi1> -> vector<16xi32>
        %add3A_459 = arith.addi %while3A_455, %masked_cumsum3A : vector<16xi32>
        tpu.vector_store_idx %arg5[%add3A_459], %get3A_458 masked %gt3A : memref<32704xf32, #tpu.memory_space<vmem>>[vector<16xi32>], vector<16xf32>, vector<16xi1>
        %all_reduce_population_count3A = tpu.all_reduce %gt3A {dim = 0 : i64, kind = #tpu.reduction_kind<sum>} : vector<16xi1> -> vector<16xi32>
        %add3A_460 = arith.addi %while3A_455, %all_reduce_population_count3A : vector<16xi32>
        scf.yield %add3A_460 : vector<16xi32>
      }
      %while3A_317 = arith.constant 1 : i32
      %while3A_318 = scf.for %while3A_454 = %while3A_314 to %while3A_310 step %while3A_317 iter_args(%while3A_455 = %while3A_316) -> (vector<16xi32>)  : i32 {
        %mul3A_456 = arith.constant 16 : i32
        %mul3A_457 = arith.muli %while3A_454, %mul3A_456 : i32
        %get3A = arith.index_cast %mul3A_457 : i32 to index
        %get3A_458 = tpu.vector_load %arg5[%get3A] {strides = array<i32>} : memref<32704xf32, #tpu.memory_space<vmem>>, vector<16xf32>,
        %gt3A = arith.cmpf ogt, %get3A_458, %sub3A_305 : vector<16xf32>
        %masked_cumsum3A = tpu.scan <sum>, %broadcast_in_dim3A_276 masked %gt3A : vector<16xi32>, vector<16xi1> -> vector<16xi32>
        %add3A_459 = arith.addi %while3A_455, %masked_cumsum3A : vector<16xi32>
        tpu.vector_store_idx %arg5[%add3A_459], %get3A_458 masked %gt3A : memref<32704xf32, #tpu.memory_space<vmem>>[vector<16xi32>], vector<16xf32>, vector<16xi1>
        %all_reduce_population_count3A = tpu.all_reduce %gt3A {dim = 0 : i64, kind = #tpu.reduction_kind<sum>} : vector<16xi1> -> vector<16xi32>
        %add3A_460 = arith.addi %while3A_455, %all_reduce_population_count3A : vector<16xi32>
        scf.yield %add3A_460 : vector<16xi32>
      }
      %slice3A_319 = vector.extract_strided_slice %while3A_318 {offsets = [0], sizes = [1], strides = [1]} : vector<16xi32> to vector<1xi32>
      %squeeze3A_320 = vector.extract %slice3A_319[0] : i32 from vector<1xi32>
      %add3A_321 = arith.constant 1 : i32
      %add3A_322 = arith.addi %squeeze3A_320, %add3A_321 : i32
      %broadcast_in_dim3A_323 = arith.constant -3.000000e+38 : f32
      %broadcast_in_dim3A_324 = vector.broadcast %broadcast_in_dim3A_323 : f32 to vector<16xf32>
      %add3A_325 = arith.constant 0 : i32
      %add3A_326 = arith.addi %add3A_322, %add3A_325 : i32
      %swap3A_327 = arith.index_cast %add3A_326 : i32 to index
      %swap3A_328 = tpu.vector_load %arg5[%swap3A_327] {strides = array<i32>} : memref<32704xf32, #tpu.memory_space<vmem>>, vector<16xf32>,
      tpu.vector_store %arg5[%swap3A_327], %broadcast_in_dim3A_324 {strides = array<i32>} : memref<32704xf32, #tpu.memory_space<vmem>>, vector<16xf32>,
      %broadcast_in_dim3A_329 = arith.constant -3.000000e+38 : f32
      %broadcast_in_dim3A_330 = vector.broadcast %broadcast_in_dim3A_329 : f32 to vector<16xf32>
      %add3A_331 = arith.constant 16 : i32
      %add3A_332 = arith.addi %add3A_322, %add3A_331 : i32
      %swap3A_333 = arith.index_cast %add3A_332 : i32 to index
      %swap3A_334 = tpu.vector_load %arg5[%swap3A_333] {strides = array<i32>} : memref<32704xf32, #tpu.memory_space<vmem>>, vector<16xf32>,
      tpu.vector_store %arg5[%swap3A_333], %broadcast_in_dim3A_330 {strides = array<i32>} : memref<32704xf32, #tpu.memory_space<vmem>>, vector<16xf32>,
      %broadcast_in_dim3A_335 = arith.constant -3.000000e+38 : f32
      %broadcast_in_dim3A_336 = vector.broadcast %broadcast_in_dim3A_335 : f32 to vector<16xf32>
      %add3A_337 = arith.constant 32 : i32
      %add3A_338 = arith.addi %add3A_322, %add3A_337 : i32
      %swap3A_339 = arith.index_cast %add3A_338 : i32 to index
      %swap3A_340 = tpu.vector_load %arg5[%swap3A_339] {strides = array<i32>} : memref<32704xf32, #tpu.memory_space<vmem>>, vector<16xf32>,
      tpu.vector_store %arg5[%swap3A_339], %broadcast_in_dim3A_336 {strides = array<i32>} : memref<32704xf32, #tpu.memory_space<vmem>>, vector<16xf32>,
      %broadcast_in_dim3A_341 = arith.constant -3.000000e+38 : f32
      %broadcast_in_dim3A_342 = vector.broadcast %broadcast_in_dim3A_341 : f32 to vector<16xf32>
      %add3A_343 = arith.constant 48 : i32
      %add3A_344 = arith.addi %add3A_322, %add3A_343 : i32
      %swap3A_345 = arith.index_cast %add3A_344 : i32 to index
      %swap3A_346 = tpu.vector_load %arg5[%swap3A_345] {strides = array<i32>} : memref<32704xf32, #tpu.memory_space<vmem>>, vector<16xf32>,
      tpu.vector_store %arg5[%swap3A_345], %broadcast_in_dim3A_342 {strides = array<i32>} : memref<32704xf32, #tpu.memory_space<vmem>>, vector<16xf32>,
      %shift_right_arithmetic3A_347 = arith.constant 4 : i32
      %shift_right_arithmetic3A_348 = arith.shrsi %add3A_322, %shift_right_arithmetic3A_347 : i32
      %add3A_349 = arith.constant 4 : i32
      %add3A_350 = arith.addi %shift_right_arithmetic3A_348, %add3A_349 : i32
      %and3A_351 = arith.constant -4 : i32
      %and3A_352 = arith.andi %add3A_350, %and3A_351 : i32
      %broadcast_in_dim3A_353 = arith.constant -3.000000e+38 : f32
      %broadcast_in_dim3A_354 = vector.broadcast %broadcast_in_dim3A_353 : f32 to vector<16xf32>
      %scan3A_355 = arith.constant 0 : i32
      %scan3A_356 = arith.constant 10 : i32
      %scan3A_357 = arith.addi %scan3A_355, %scan3A_356 : i32
      %scan3A_358 = arith.constant 1 : i32
      %scan3A_359 = scf.for %scan3A_454 = %scan3A_355 to %scan3A_357 step %scan3A_358 iter_args(%scan3A_455 = %broadcast_in_dim3A_354) -> (vector<16xf32>)  : i32 {
        %broadcast_in_dim3A_456 = arith.constant 0.000000e+00 : f32
        %broadcast_in_dim3A_457 = vector.broadcast %broadcast_in_dim3A_456 : f32 to vector<16xf32>
        %broadcast_in_dim3A_458 = arith.constant 0.000000e+00 : f32
        %broadcast_in_dim3A_459 = vector.broadcast %broadcast_in_dim3A_458 : f32 to vector<16xf32>
        %parallel_loop3A_460 = arith.constant 0 : i32
        %parallel_loop3A_461 = arith.constant 1 : i32
        %parallel_loop3A_462:2 = scf.for %parallel_loop3A_497 = %parallel_loop3A_460 to %and3A_352 step %parallel_loop3A_461 iter_args(%parallel_loop3A_498 = %broadcast_in_dim3A_457, %parallel_loop3A_499 = %broadcast_in_dim3A_459) -> (vector<16xf32>, vector<16xf32>)  : i32 {
          %parallel_loop3A_500 = arith.constant 16 : i32
          %parallel_loop3A_501 = arith.muli %parallel_loop3A_497, %parallel_loop3A_500 : i32
          %parallel_loop3A_502 = arith.index_cast %parallel_loop3A_501 : i32 to index
          %parallel_loop3A_503 = tpu.vector_load %arg5[%parallel_loop3A_502] {strides = array<i32>} : memref<32704xf32, #tpu.memory_space<vmem>>, vector<16xf32>,
          %parallel_loop3A_504 = arith.cmpf ogt, %parallel_loop3A_503, %scan3A_455 : vector<16xf32>
          %parallel_loop3A_505 = arith.constant 1.000000e+00 : f32
          %parallel_loop3A_506 = arith.constant 0.000000e+00 : f32
          %parallel_loop3A_507 = vector.broadcast %parallel_loop3A_505 : f32 to vector<16xf32>
          %parallel_loop3A_508 = vector.broadcast %parallel_loop3A_506 : f32 to vector<16xf32>
          %parallel_loop3A_509 = arith.select %parallel_loop3A_504, %parallel_loop3A_507, %parallel_loop3A_508 : vector<16xi1>, vector<16xf32>
          %parallel_loop3A_510 = arith.addf %parallel_loop3A_498, %parallel_loop3A_509 : vector<16xf32>
          %parallel_loop3A_511 = arith.constant 0.000000e+00 : f32
          %parallel_loop3A_512 = vector.broadcast %parallel_loop3A_511 : f32 to vector<16xf32>
          %parallel_loop3A_513 = arith.select %parallel_loop3A_504, %parallel_loop3A_503, %parallel_loop3A_512 : vector<16xi1>, vector<16xf32>
          %parallel_loop3A_514 = arith.addf %parallel_loop3A_499, %parallel_loop3A_513 : vector<16xf32>
          scf.yield %parallel_loop3A_510, %parallel_loop3A_514 : vector<16xf32>, vector<16xf32>
        } {sc.loop_unroll_factor = 4 : i64, sc.parallel_access}
        %broadcast_in_dim3A_463 = arith.constant true
        %broadcast_in_dim3A_464 = vector.broadcast %broadcast_in_dim3A_463 : i1 to vector<16xi1>
        %masked_cumsum3A = tpu.scan <sum>, %parallel_loop3A_462#0 masked %broadcast_in_dim3A_464 : vector<16xf32>, vector<16xi1> -> vector<16xf32>
        %broadcast_in_dim3A_465 = arith.constant 15 : i32
        %broadcast_in_dim3A_466 = vector.broadcast %broadcast_in_dim3A_465 : i32 to vector<16xi32>
        %lt3A_467 = arith.constant 0 : i32
        %lt3A_468 = vector.broadcast %lt3A_467 : i32 to vector<16xi32>
        %lt3A_469 = arith.cmpi slt, %broadcast_in_dim3A_466, %lt3A_468 : vector<16xi32>
        %add3A_470 = arith.constant 16 : i32
        %add3A_471 = vector.broadcast %add3A_470 : i32 to vector<16xi32>
        %add3A_472 = arith.addi %broadcast_in_dim3A_466, %add3A_471 : vector<16xi32>
        %select_n3A_473 = arith.select %lt3A_469, %add3A_472, %broadcast_in_dim3A_466 : vector<16xi1>, vector<16xi32>
        %broadcast_in_dim3A_474 = vector.shape_cast %select_n3A_473 : vector<16xi32> to vector<16x1xi32>
        %gather3A_475 = vector.shape_cast %broadcast_in_dim3A_474 : vector<16x1xi32> to vector<16xi32>
        %gather3A_476 = tpu.dynamic_gather %masked_cumsum3A[%gather3A_475] in [0] : vector<16xf32>, vector<16xi32> -> vector<16xf32>
        %max3A = arith.constant 1.000000e+00 : f32
        %max3A_477 = vector.broadcast %max3A : f32 to vector<16xf32>
        %max3A_478 = arith.maximumf %gather3A_476, %max3A_477 : vector<16xf32>
        %broadcast_in_dim3A_479 = arith.constant true
        %broadcast_in_dim3A_480 = vector.broadcast %broadcast_in_dim3A_479 : i1 to vector<16xi1>
        %masked_cumsum3A_481 = tpu.scan <sum>, %parallel_loop3A_462#1 masked %broadcast_in_dim3A_480 : vector<16xf32>, vector<16xi1> -> vector<16xf32>
        %broadcast_in_dim3A_482 = arith.constant 15 : i32
        %broadcast_in_dim3A_483 = vector.broadcast %broadcast_in_dim3A_482 : i32 to vector<16xi32>
        %lt3A_484 = arith.constant 0 : i32
        %lt3A_485 = vector.broadcast %lt3A_484 : i32 to vector<16xi32>
        %lt3A_486 = arith.cmpi slt, %broadcast_in_dim3A_483, %lt3A_485 : vector<16xi32>
        %add3A_487 = arith.constant 16 : i32
        %add3A_488 = vector.broadcast %add3A_487 : i32 to vector<16xi32>
        %add3A_489 = arith.addi %broadcast_in_dim3A_483, %add3A_488 : vector<16xi32>
        %select_n3A_490 = arith.select %lt3A_486, %add3A_489, %broadcast_in_dim3A_483 : vector<16xi1>, vector<16xi32>
        %broadcast_in_dim3A_491 = vector.shape_cast %select_n3A_490 : vector<16xi32> to vector<16x1xi32>
        %gather3A_492 = vector.shape_cast %broadcast_in_dim3A_491 : vector<16x1xi32> to vector<16xi32>
        %gather3A_493 = tpu.dynamic_gather %masked_cumsum3A_481[%gather3A_492] in [0] : vector<16xf32>, vector<16xi32> -> vector<16xf32>
        %sub3A_494 = arith.constant 1.000000e+00 : f32
        %sub3A_495 = vector.broadcast %sub3A_494 : f32 to vector<16xf32>
        %sub3A_496 = arith.subf %gather3A_493, %sub3A_495 : vector<16xf32>
        %div3A = arith.divf %sub3A_496, %max3A_478 : vector<16xf32>
        scf.yield %div3A : vector<16xf32>
      }
      %scan3A_360 = arith.constant 10 : i32
      %ge3A = arith.constant 1 : i32
      %ge3A_361 = arith.cmpi sge, %scan3A_219, %ge3A : i32
      %convert_element_type3A = arith.extui %ge3A_361 : i1 to i32
      %cond3A = arith.constant 0 : i32
      %cond3A_362 = arith.cmpi ne, %convert_element_type3A, %cond3A : i32
      scf.if %cond3A_362 {
        %sub3A_454 = arith.constant 1 : i32
        %sub3A_455 = arith.subi %scan3A_219, %sub3A_454 : i32
        %add3A_456 = arith.addi %mul3A_2, %sub3A_455 : i32
        %dma_wait3A_457 = tpu.memref_slice %arg4[%mul3A_274] : memref<98304xf32, #tpu.memory_space<vmem>> -> memref<32768xf32, #tpu.memory_space<vmem>>
        %dma_wait3A_458 = arith.constant 0 : i32
        %dma_wait3A_459 = tpu.memref_slice %arg3[%add3A_456, %dma_wait3A_458] : memref<128x32768xf32, #tpu.memory_space<hbm>> -> memref<1x32768xf32, #tpu.memory_space<hbm>>
        %dma_wait3A_460 = tpu.memref_squeeze %dma_wait3A_459 : memref<1x32768xf32, #tpu.memory_space<hbm>> -> memref<32768xf32, #tpu.memory_space<hbm>>
        %dma_wait3A_461 = arith.constant 0 : i32
        %dma_wait3A_462 = tpu.memref_slice %arg3[%add3A_456, %dma_wait3A_461] : memref<128x32768xf32, #tpu.memory_space<hbm>> -> memref<1x32768xf32, #tpu.memory_space<hbm>>
        %dma_wait3A_463 = tpu.memref_squeeze %dma_wait3A_462 : memref<1x32768xf32, #tpu.memory_space<hbm>> -> memref<32768xf32, #tpu.memory_space<hbm>>
        %dma_wait3A_464 = tpu.memref_slice %arg4[%mul3A_274] : memref<98304xf32, #tpu.memory_space<vmem>> -> memref<32768xf32, #tpu.memory_space<vmem>>
        tpu.wait_dma2 semaphore(%arg7 : memref<!tpu.dma_semaphore, #tpu.memory_space<semaphore_mem>>) src(%dma_wait3A_464 : memref<32768xf32, #tpu.memory_space<vmem>>) dst(%dma_wait3A_463 : memref<32768xf32, #tpu.memory_space<hbm>>)
      } else {
      }
      %add3A_363 = arith.constant 1 : i32
      %add3A_364 = arith.addi %scan3A_219, %add3A_363 : i32
      %add3A_365 = arith.addi %mul3A_2, %add3A_364 : i32
      %dma_wait3A_366 = tpu.memref_slice %arg4[%mul3A_254] : memref<98304xf32, #tpu.memory_space<vmem>> -> memref<32768xf32, #tpu.memory_space<vmem>>
      %dma_wait3A_367 = arith.constant 0 : i32
      %dma_wait3A_368 = tpu.memref_slice %arg2[%add3A_365, %dma_wait3A_367] : memref<128x32768xf32, #tpu.memory_space<hbm>> -> memref<1x32768xf32, #tpu.memory_space<hbm>>
      %dma_wait3A_369 = tpu.memref_squeeze %dma_wait3A_368 : memref<1x32768xf32, #tpu.memory_space<hbm>> -> memref<32768xf32, #tpu.memory_space<hbm>>
      %dma_wait3A_370 = tpu.memref_slice %arg4[%mul3A_254] : memref<98304xf32, #tpu.memory_space<vmem>> -> memref<32768xf32, #tpu.memory_space<vmem>>
      %dma_wait3A_371 = arith.constant 0 : i32
      %dma_wait3A_372 = tpu.memref_slice %arg2[%add3A_365, %dma_wait3A_371] : memref<128x32768xf32, #tpu.memory_space<hbm>> -> memref<1x32768xf32, #tpu.memory_space<hbm>>
      %dma_wait3A_373 = tpu.memref_squeeze %dma_wait3A_372 : memref<1x32768xf32, #tpu.memory_space<hbm>> -> memref<32768xf32, #tpu.memory_space<hbm>>
      tpu.wait_dma2 semaphore(%arg6 : memref<!tpu.dma_semaphore, #tpu.memory_space<semaphore_mem>>) src(%dma_wait3A_373 : memref<32768xf32, #tpu.memory_space<hbm>>) dst(%dma_wait3A_370 : memref<32768xf32, #tpu.memory_space<vmem>>)
      %add3A_374 = arith.constant 2 : i32
      %add3A_375 = arith.addi %scan3A_219, %add3A_374 : i32
      %lt3A_376 = arith.constant 4 : i32
      %lt3A_377 = arith.cmpi slt, %add3A_375, %lt3A_376 : i32
      %convert_element_type3A_378 = arith.extui %lt3A_377 : i1 to i32
      %cond3A_379 = arith.constant 0 : i32
      %cond3A_380 = arith.cmpi ne, %convert_element_type3A_378, %cond3A_379 : i32
      scf.if %cond3A_380 {
        %add3A_454 = arith.constant 2 : i32
        %add3A_455 = arith.addi %scan3A_219, %add3A_454 : i32
        %add3A_456 = arith.addi %mul3A_2, %add3A_455 : i32
        %dma_start3A_457 = tpu.memref_slice %arg4[%mul3A_274] : memref<98304xf32, #tpu.memory_space<vmem>> -> memref<32768xf32, #tpu.memory_space<vmem>>
        %dma_start3A_458 = arith.constant 0 : i32
        %dma_start3A_459 = tpu.memref_slice %arg2[%add3A_456, %dma_start3A_458] : memref<128x32768xf32, #tpu.memory_space<hbm>> -> memref<1x32768xf32, #tpu.memory_space<hbm>>
        %dma_start3A_460 = tpu.memref_squeeze %dma_start3A_459 : memref<1x32768xf32, #tpu.memory_space<hbm>> -> memref<32768xf32, #tpu.memory_space<hbm>>
        %dma_start3A_461 = tpu.memref_slice %arg4[%mul3A_274] : memref<98304xf32, #tpu.memory_space<vmem>> -> memref<32768xf32, #tpu.memory_space<vmem>>
        %dma_start3A_462 = arith.constant 0 : i32
        %dma_start3A_463 = tpu.memref_slice %arg2[%add3A_456, %dma_start3A_462] : memref<128x32768xf32, #tpu.memory_space<hbm>> -> memref<1x32768xf32, #tpu.memory_space<hbm>>
        %dma_start3A_464 = tpu.memref_squeeze %dma_start3A_463 : memref<1x32768xf32, #tpu.memory_space<hbm>> -> memref<32768xf32, #tpu.memory_space<hbm>>
        tpu.enqueue_dma source(%dma_start3A_464 : memref<32768xf32, #tpu.memory_space<hbm>>) target(%dma_start3A_461 : memref<32768xf32, #tpu.memory_space<vmem>>) target_semaphore(%arg6 : memref<!tpu.dma_semaphore, #tpu.memory_space<semaphore_mem>>)
      } else {
      }
      %broadcast_in_dim3A_381 = arith.constant -3.000000e+38 : f32
      %broadcast_in_dim3A_382 = vector.broadcast %broadcast_in_dim3A_381 : f32 to vector<16xf32>
      %parallel_loop3A_383 = arith.constant 0 : i32
      %parallel_loop3A_384 = arith.constant 128 : i32
      %parallel_loop3A_385 = arith.constant 1 : i32
      %parallel_loop3A_386 = scf.for %parallel_loop3A_454 = %parallel_loop3A_383 to %parallel_loop3A_384 step %parallel_loop3A_385 iter_args(%parallel_loop3A_455 = %broadcast_in_dim3A_382) -> (vector<16xf32>)  : i32 {
        %parallel_loop3A_456 = arith.constant 16 : i32
        %parallel_loop3A_457 = arith.muli %parallel_loop3A_454, %parallel_loop3A_456 : i32
        %parallel_loop3A_458 = arith.constant 16 : i32
        %parallel_loop3A_459 = arith.muli %parallel_loop3A_457, %parallel_loop3A_458 : i32
        %parallel_loop3A_460 = arith.addi %mul3A_254, %parallel_loop3A_459 : i32
        %parallel_loop3A_461 = arith.index_cast %parallel_loop3A_460 : i32 to index
        %parallel_loop3A_462 = tpu.vector_load %arg4[%parallel_loop3A_461] {strides = array<i32>} : memref<98304xf32, #tpu.memory_space<vmem>>, vector<16xf32>,
        %parallel_loop3A_463 = arith.maximumf %parallel_loop3A_455, %parallel_loop3A_462 : vector<16xf32>
        scf.yield %parallel_loop3A_463 : vector<16xf32>
      } {sc.loop_unroll_factor = 8 : i64, sc.parallel_access}
      %broadcast_in_dim3A_387 = arith.constant true
      %broadcast_in_dim3A_388 = vector.broadcast %broadcast_in_dim3A_387 : i1 to vector<16xi1>
      %masked_cummax3A_389 = tpu.scan <max>, %parallel_loop3A_386 masked %broadcast_in_dim3A_388 : vector<16xf32>, vector<16xi1> -> vector<16xf32>
      %broadcast_in_dim3A_390 = arith.constant 15 : i32
      %broadcast_in_dim3A_391 = vector.broadcast %broadcast_in_dim3A_390 : i32 to vector<16xi32>
      %lt3A_392 = arith.constant 0 : i32
      %lt3A_393 = vector.broadcast %lt3A_392 : i32 to vector<16xi32>
      %lt3A_394 = arith.cmpi slt, %broadcast_in_dim3A_391, %lt3A_393 : vector<16xi32>
      %add3A_395 = arith.constant 16 : i32
      %add3A_396 = vector.broadcast %add3A_395 : i32 to vector<16xi32>
      %add3A_397 = arith.addi %broadcast_in_dim3A_391, %add3A_396 : vector<16xi32>
      %select_n3A_398 = arith.select %lt3A_394, %add3A_397, %broadcast_in_dim3A_391 : vector<16xi1>, vector<16xi32>
      %broadcast_in_dim3A_399 = vector.shape_cast %select_n3A_398 : vector<16xi32> to vector<16x1xi32>
      %gather3A_400 = vector.shape_cast %broadcast_in_dim3A_399 : vector<16x1xi32> to vector<16xi32>
      %gather3A_401 = tpu.dynamic_gather %masked_cummax3A_389[%gather3A_400] in [0] : vector<16xf32>, vector<16xi32> -> vector<16xf32>
      %sub3A_402 = arith.constant 1.000000e+00 : f32
      %sub3A_403 = vector.broadcast %sub3A_402 : f32 to vector<16xf32>
      %sub3A_404 = arith.subf %gather3A_401, %sub3A_403 : vector<16xf32>
      %broadcast_in_dim3A_405 = arith.constant 1 : i32
      %broadcast_in_dim3A_406 = vector.broadcast %broadcast_in_dim3A_405 : i32 to vector<16xi32>
      %broadcast_in_dim3A_407 = arith.constant 32624 : i32
      %broadcast_in_dim3A_408 = vector.broadcast %broadcast_in_dim3A_407 : i32 to vector<16xi32>
      %broadcast_in_dim3A_409 = arith.constant -1 : i32
      %broadcast_in_dim3A_410 = vector.broadcast %broadcast_in_dim3A_409 : i32 to vector<16xi32>
      %parallel_loop3A_411 = arith.constant 0 : i32
      %parallel_loop3A_412 = arith.constant 2048 : i32
      %parallel_loop3A_413 = arith.constant 1 : i32
      %parallel_loop3A_414 = scf.for %parallel_loop3A_454 = %parallel_loop3A_411 to %parallel_loop3A_412 step %parallel_loop3A_413 iter_args(%parallel_loop3A_455 = %broadcast_in_dim3A_410) -> (vector<16xi32>)  : i32 {
        %parallel_loop3A_456 = arith.constant 16 : i32
        %parallel_loop3A_457 = arith.muli %parallel_loop3A_454, %parallel_loop3A_456 : i32
        %parallel_loop3A_458 = arith.addi %mul3A_234, %parallel_loop3A_457 : i32
        %parallel_loop3A_459 = arith.index_cast %parallel_loop3A_458 : i32 to index
        %parallel_loop3A_460 = tpu.vector_load %arg4[%parallel_loop3A_459] {strides = array<i32>} : memref<98304xf32, #tpu.memory_space<vmem>>, vector<16xf32>,
        %parallel_loop3A_461 = arith.subf %parallel_loop3A_460, %scan3A_359 : vector<16xf32>
        %parallel_loop3A_462 = arith.constant 0.000000e+00 : f32
        %parallel_loop3A_463 = vector.broadcast %parallel_loop3A_462 : f32 to vector<16xf32>
        %parallel_loop3A_464 = arith.maximumf %parallel_loop3A_461, %parallel_loop3A_463 : vector<16xf32>
        %parallel_loop3A_465 = arith.constant 16 : i32
        %parallel_loop3A_466 = arith.muli %parallel_loop3A_454, %parallel_loop3A_465 : i32
        %parallel_loop3A_467 = arith.addi %mul3A_234, %parallel_loop3A_466 : i32
        %parallel_loop3A_468 = arith.index_cast %parallel_loop3A_467 : i32 to index
        %parallel_loop3A_469 = tpu.vector_load %arg4[%parallel_loop3A_468] {strides = array<i32>} : memref<98304xf32, #tpu.memory_space<vmem>>, vector<16xf32>,
        tpu.vector_store %arg4[%parallel_loop3A_468], %parallel_loop3A_464 {strides = array<i32>} : memref<98304xf32, #tpu.memory_space<vmem>>, vector<16xf32>,
        %parallel_loop3A_470 = arith.constant 16 : i32
        %parallel_loop3A_471 = arith.muli %parallel_loop3A_454, %parallel_loop3A_470 : i32
        %parallel_loop3A_472 = arith.addi %mul3A_254, %parallel_loop3A_471 : i32
        %parallel_loop3A_473 = arith.index_cast %parallel_loop3A_472 : i32 to index
        %parallel_loop3A_474 = tpu.vector_load %arg4[%parallel_loop3A_473] {strides = array<i32>} : memref<98304xf32, #tpu.memory_space<vmem>>, vector<16xf32>,
        %parallel_loop3A_475 = arith.cmpf ogt, %parallel_loop3A_474, %sub3A_404 : vector<16xf32>
        %parallel_loop3A_476 = tpu.scan <sum>, %broadcast_in_dim3A_406 masked %parallel_loop3A_475 : vector<16xi32>, vector<16xi1> -> vector<16xi32>
        %parallel_loop3A_477 = arith.addi %parallel_loop3A_455, %parallel_loop3A_476 : vector<16xi32>
        %parallel_loop3A_478 = arith.minsi %parallel_loop3A_477, %broadcast_in_dim3A_408 : vector<16xi32>
        tpu.vector_store_idx %arg5[%parallel_loop3A_478], %parallel_loop3A_474 masked %parallel_loop3A_475 : memref<32704xf32, #tpu.memory_space<vmem>>[vector<16xi32>], vector<16xf32>, vector<16xi1>
        %parallel_loop3A_479 = tpu.all_reduce %parallel_loop3A_475 {dim = 0 : i64, kind = #tpu.reduction_kind<sum>} : vector<16xi1> -> vector<16xi32>
        %parallel_loop3A_480 = arith.addi %parallel_loop3A_455, %parallel_loop3A_479 : vector<16xi32>
        scf.yield %parallel_loop3A_480 : vector<16xi32>
      } {sc.loop_unroll_factor = 8 : i64, sc.parallel_access}
      %slice3A_415 = vector.extract_strided_slice %parallel_loop3A_414 {offsets = [0], sizes = [1], strides = [1]} : vector<16xi32> to vector<1xi32>
      %squeeze3A_416 = vector.extract %slice3A_415[0] : i32 from vector<1xi32>
      %add3A_417 = arith.constant 1 : i32
      %add3A_418 = arith.addi %squeeze3A_416, %add3A_417 : i32
      %min3A_419 = arith.constant 32624 : i32
      %min3A_420 = arith.minsi %add3A_418, %min3A_419 : i32
      %broadcast_in_dim3A_421 = arith.constant -3.000000e+38 : f32
      %broadcast_in_dim3A_422 = vector.broadcast %broadcast_in_dim3A_421 : f32 to vector<16xf32>
      %add3A_423 = arith.constant 0 : i32
      %add3A_424 = arith.addi %min3A_420, %add3A_423 : i32
      %swap3A_425 = arith.index_cast %add3A_424 : i32 to index
      %swap3A_426 = tpu.vector_load %arg5[%swap3A_425] {strides = array<i32>} : memref<32704xf32, #tpu.memory_space<vmem>>, vector<16xf32>,
      tpu.vector_store %arg5[%swap3A_425], %broadcast_in_dim3A_422 {strides = array<i32>} : memref<32704xf32, #tpu.memory_space<vmem>>, vector<16xf32>,
      %broadcast_in_dim3A_427 = arith.constant -3.000000e+38 : f32
      %broadcast_in_dim3A_428 = vector.broadcast %broadcast_in_dim3A_427 : f32 to vector<16xf32>
      %add3A_429 = arith.constant 16 : i32
      %add3A_430 = arith.addi %min3A_420, %add3A_429 : i32
      %swap3A_431 = arith.index_cast %add3A_430 : i32 to index
      %swap3A_432 = tpu.vector_load %arg5[%swap3A_431] {strides = array<i32>} : memref<32704xf32, #tpu.memory_space<vmem>>, vector<16xf32>,
      tpu.vector_store %arg5[%swap3A_431], %broadcast_in_dim3A_428 {strides = array<i32>} : memref<32704xf32, #tpu.memory_space<vmem>>, vector<16xf32>,
      %broadcast_in_dim3A_433 = arith.constant -3.000000e+38 : f32
      %broadcast_in_dim3A_434 = vector.broadcast %broadcast_in_dim3A_433 : f32 to vector<16xf32>
      %add3A_435 = arith.constant 32 : i32
      %add3A_436 = arith.addi %min3A_420, %add3A_435 : i32
      %swap3A_437 = arith.index_cast %add3A_436 : i32 to index
      %swap3A_438 = tpu.vector_load %arg5[%swap3A_437] {strides = array<i32>} : memref<32704xf32, #tpu.memory_space<vmem>>, vector<16xf32>,
      tpu.vector_store %arg5[%swap3A_437], %broadcast_in_dim3A_434 {strides = array<i32>} : memref<32704xf32, #tpu.memory_space<vmem>>, vector<16xf32>,
      %broadcast_in_dim3A_439 = arith.constant -3.000000e+38 : f32
      %broadcast_in_dim3A_440 = vector.broadcast %broadcast_in_dim3A_439 : f32 to vector<16xf32>
      %add3A_441 = arith.constant 48 : i32
      %add3A_442 = arith.addi %min3A_420, %add3A_441 : i32
      %swap3A_443 = arith.index_cast %add3A_442 : i32 to index
      %swap3A_444 = tpu.vector_load %arg5[%swap3A_443] {strides = array<i32>} : memref<32704xf32, #tpu.memory_space<vmem>>, vector<16xf32>,
      tpu.vector_store %arg5[%swap3A_443], %broadcast_in_dim3A_440 {strides = array<i32>} : memref<32704xf32, #tpu.memory_space<vmem>>, vector<16xf32>,
      %add3A_445 = arith.addi %mul3A_2, %scan3A_219 : i32
      %dma_start3A_446 = tpu.memref_slice %arg4[%mul3A_234] : memref<98304xf32, #tpu.memory_space<vmem>> -> memref<32768xf32, #tpu.memory_space<vmem>>
      %dma_start3A_447 = arith.constant 0 : i32
      %dma_start3A_448 = tpu.memref_slice %arg3[%add3A_445, %dma_start3A_447] : memref<128x32768xf32, #tpu.memory_space<hbm>> -> memref<1x32768xf32, #tpu.memory_space<hbm>>
      %dma_start3A_449 = tpu.memref_squeeze %dma_start3A_448 : memref<1x32768xf32, #tpu.memory_space<hbm>> -> memref<32768xf32, #tpu.memory_space<hbm>>
      %dma_start3A_450 = arith.constant 0 : i32
      %dma_start3A_451 = tpu.memref_slice %arg3[%add3A_445, %dma_start3A_450] : memref<128x32768xf32, #tpu.memory_space<hbm>> -> memref<1x32768xf32, #tpu.memory_space<hbm>>
      %dma_start3A_452 = tpu.memref_squeeze %dma_start3A_451 : memref<1x32768xf32, #tpu.memory_space<hbm>> -> memref<32768xf32, #tpu.memory_space<hbm>>
      %dma_start3A_453 = tpu.memref_slice %arg4[%mul3A_234] : memref<98304xf32, #tpu.memory_space<vmem>> -> memref<32768xf32, #tpu.memory_space<vmem>>
      tpu.enqueue_dma source(%dma_start3A_453 : memref<32768xf32, #tpu.memory_space<vmem>>) target(%dma_start3A_452 : memref<32768xf32, #tpu.memory_space<hbm>>) target_semaphore(%arg7 : memref<!tpu.dma_semaphore, #tpu.memory_space<semaphore_mem>>)
      scf.yield %min3A_420 : i32
    }
    %scan3A_96 = arith.constant 3 : i32
    %broadcast_in_dim3A_97 = arith.constant 1 : i32
    %broadcast_in_dim3A_98 = vector.broadcast %broadcast_in_dim3A_97 : i32 to vector<16xi32>
    %shift_right_arithmetic3A = arith.constant 4 : i32
    %shift_right_arithmetic3A_99 = arith.shrsi %scan3A_95, %shift_right_arithmetic3A : i32
    %add3A_100 = arith.constant 4 : i32
    %add3A_101 = arith.addi %shift_right_arithmetic3A_99, %add3A_100 : i32
    %and3A = arith.constant -4 : i32
    %and3A_102 = arith.andi %add3A_101, %and3A : i32
    %broadcast_in_dim3A_103 = arith.constant -3.000000e+38 : f32
    %broadcast_in_dim3A_104 = vector.broadcast %broadcast_in_dim3A_103 : f32 to vector<16xf32>
    %parallel_loop3A_105 = arith.constant 0 : i32
    %parallel_loop3A_106 = arith.constant 1 : i32
    %parallel_loop3A_107 = scf.for %parallel_loop3A_219 = %parallel_loop3A_105 to %and3A_102 step %parallel_loop3A_106 iter_args(%parallel_loop3A_220 = %broadcast_in_dim3A_104) -> (vector<16xf32>)  : i32 {
      %parallel_loop3A_221 = arith.constant 16 : i32
      %parallel_loop3A_222 = arith.muli %parallel_loop3A_219, %parallel_loop3A_221 : i32
      %parallel_loop3A_223 = arith.index_cast %parallel_loop3A_222 : i32 to index
      %parallel_loop3A_224 = tpu.vector_load %arg5[%parallel_loop3A_223] {strides = array<i32>} : memref<32704xf32, #tpu.memory_space<vmem>>, vector<16xf32>,
      %parallel_loop3A_225 = arith.maximumf %parallel_loop3A_220, %parallel_loop3A_224 : vector<16xf32>
      scf.yield %parallel_loop3A_225 : vector<16xf32>
    } {sc.loop_unroll_factor = 4 : i64, sc.parallel_access}
    %broadcast_in_dim3A_108 = arith.constant true
    %broadcast_in_dim3A_109 = vector.broadcast %broadcast_in_dim3A_108 : i1 to vector<16xi1>
    %masked_cummax3A_110 = tpu.scan <max>, %parallel_loop3A_107 masked %broadcast_in_dim3A_109 : vector<16xf32>, vector<16xi1> -> vector<16xf32>
    %broadcast_in_dim3A_111 = arith.constant 15 : i32
    %broadcast_in_dim3A_112 = vector.broadcast %broadcast_in_dim3A_111 : i32 to vector<16xi32>
    %lt3A_113 = arith.constant 0 : i32
    %lt3A_114 = vector.broadcast %lt3A_113 : i32 to vector<16xi32>
    %lt3A_115 = arith.cmpi slt, %broadcast_in_dim3A_112, %lt3A_114 : vector<16xi32>
    %add3A_116 = arith.constant 16 : i32
    %add3A_117 = vector.broadcast %add3A_116 : i32 to vector<16xi32>
    %add3A_118 = arith.addi %broadcast_in_dim3A_112, %add3A_117 : vector<16xi32>
    %select_n3A_119 = arith.select %lt3A_115, %add3A_118, %broadcast_in_dim3A_112 : vector<16xi1>, vector<16xi32>
    %broadcast_in_dim3A_120 = vector.shape_cast %select_n3A_119 : vector<16xi32> to vector<16x1xi32>
    %gather3A_121 = vector.shape_cast %broadcast_in_dim3A_120 : vector<16x1xi32> to vector<16xi32>
    %gather3A_122 = tpu.dynamic_gather %masked_cummax3A_110[%gather3A_121] in [0] : vector<16xf32>, vector<16xi32> -> vector<16xf32>
    %sub3A_123 = arith.constant 1.000000e+00 : f32
    %sub3A_124 = vector.broadcast %sub3A_123 : f32 to vector<16xf32>
    %sub3A_125 = arith.subf %gather3A_122, %sub3A_124 : vector<16xf32>
    %broadcast_in_dim3A_126 = arith.constant -1 : i32
    %broadcast_in_dim3A_127 = vector.broadcast %broadcast_in_dim3A_126 : i32 to vector<16xi32>
    %while3A = arith.constant 0 : i32
    %while3A_128 = arith.subi %and3A_102, %while3A : i32
    %while3A_129 = arith.addi %while3A, %while3A_128 : i32
    %while3A_130 = arith.constant 1 : i32
    %while3A_131 = arith.divsi %while3A_128, %while3A_130 : i32
    %while3A_132 = arith.muli %while3A_131, %while3A_130 : i32
    %while3A_133 = arith.addi %while3A, %while3A_132 : i32
    %while3A_134 = arith.constant 1 : i32
    %while3A_135 = scf.for %while3A_219 = %while3A to %while3A_133 step %while3A_134 iter_args(%while3A_220 = %broadcast_in_dim3A_127) -> (vector<16xi32>)  : i32 {
      %mul3A_221 = arith.constant 16 : i32
      %mul3A_222 = arith.muli %while3A_219, %mul3A_221 : i32
      %get3A = arith.index_cast %mul3A_222 : i32 to index
      %get3A_223 = tpu.vector_load %arg5[%get3A] {strides = array<i32>} : memref<32704xf32, #tpu.memory_space<vmem>>, vector<16xf32>,
      %gt3A = arith.cmpf ogt, %get3A_223, %sub3A_125 : vector<16xf32>
      %masked_cumsum3A = tpu.scan <sum>, %broadcast_in_dim3A_98 masked %gt3A : vector<16xi32>, vector<16xi1> -> vector<16xi32>
      %add3A_224 = arith.addi %while3A_220, %masked_cumsum3A : vector<16xi32>
      tpu.vector_store_idx %arg5[%add3A_224], %get3A_223 masked %gt3A : memref<32704xf32, #tpu.memory_space<vmem>>[vector<16xi32>], vector<16xf32>, vector<16xi1>
      %all_reduce_population_count3A = tpu.all_reduce %gt3A {dim = 0 : i64, kind = #tpu.reduction_kind<sum>} : vector<16xi1> -> vector<16xi32>
      %add3A_225 = arith.addi %while3A_220, %all_reduce_population_count3A : vector<16xi32>
      scf.yield %add3A_225 : vector<16xi32>
    }
    %while3A_136 = arith.constant 1 : i32
    %while3A_137 = scf.for %while3A_219 = %while3A_133 to %while3A_129 step %while3A_136 iter_args(%while3A_220 = %while3A_135) -> (vector<16xi32>)  : i32 {
      %mul3A_221 = arith.constant 16 : i32
      %mul3A_222 = arith.muli %while3A_219, %mul3A_221 : i32
      %get3A = arith.index_cast %mul3A_222 : i32 to index
      %get3A_223 = tpu.vector_load %arg5[%get3A] {strides = array<i32>} : memref<32704xf32, #tpu.memory_space<vmem>>, vector<16xf32>,
      %gt3A = arith.cmpf ogt, %get3A_223, %sub3A_125 : vector<16xf32>
      %masked_cumsum3A = tpu.scan <sum>, %broadcast_in_dim3A_98 masked %gt3A : vector<16xi32>, vector<16xi1> -> vector<16xi32>
      %add3A_224 = arith.addi %while3A_220, %masked_cumsum3A : vector<16xi32>
      tpu.vector_store_idx %arg5[%add3A_224], %get3A_223 masked %gt3A : memref<32704xf32, #tpu.memory_space<vmem>>[vector<16xi32>], vector<16xf32>, vector<16xi1>
      %all_reduce_population_count3A = tpu.all_reduce %gt3A {dim = 0 : i64, kind = #tpu.reduction_kind<sum>} : vector<16xi1> -> vector<16xi32>
      %add3A_225 = arith.addi %while3A_220, %all_reduce_population_count3A : vector<16xi32>
      scf.yield %add3A_225 : vector<16xi32>
    }
    %slice3A_138 = vector.extract_strided_slice %while3A_137 {offsets = [0], sizes = [1], strides = [1]} : vector<16xi32> to vector<1xi32>
    %squeeze3A_139 = vector.extract %slice3A_138[0] : i32 from vector<1xi32>
    %add3A_140 = arith.constant 1 : i32
    %add3A_141 = arith.addi %squeeze3A_139, %add3A_140 : i32
    %broadcast_in_dim3A_142 = arith.constant -3.000000e+38 : f32
    %broadcast_in_dim3A_143 = vector.broadcast %broadcast_in_dim3A_142 : f32 to vector<16xf32>
    %add3A_144 = arith.constant 0 : i32
    %add3A_145 = arith.addi %add3A_141, %add3A_144 : i32
    %swap3A_146 = arith.index_cast %add3A_145 : i32 to index
    %swap3A_147 = tpu.vector_load %arg5[%swap3A_146] {strides = array<i32>} : memref<32704xf32, #tpu.memory_space<vmem>>, vector<16xf32>,
    tpu.vector_store %arg5[%swap3A_146], %broadcast_in_dim3A_143 {strides = array<i32>} : memref<32704xf32, #tpu.memory_space<vmem>>, vector<16xf32>,
    %broadcast_in_dim3A_148 = arith.constant -3.000000e+38 : f32
    %broadcast_in_dim3A_149 = vector.broadcast %broadcast_in_dim3A_148 : f32 to vector<16xf32>
    %add3A_150 = arith.constant 16 : i32
    %add3A_151 = arith.addi %add3A_141, %add3A_150 : i32
    %swap3A_152 = arith.index_cast %add3A_151 : i32 to index
    %swap3A_153 = tpu.vector_load %arg5[%swap3A_152] {strides = array<i32>} : memref<32704xf32, #tpu.memory_space<vmem>>, vector<16xf32>,
    tpu.vector_store %arg5[%swap3A_152], %broadcast_in_dim3A_149 {strides = array<i32>} : memref<32704xf32, #tpu.memory_space<vmem>>, vector<16xf32>,
    %broadcast_in_dim3A_154 = arith.constant -3.000000e+38 : f32
    %broadcast_in_dim3A_155 = vector.broadcast %broadcast_in_dim3A_154 : f32 to vector<16xf32>
    %add3A_156 = arith.constant 32 : i32
    %add3A_157 = arith.addi %add3A_141, %add3A_156 : i32
    %swap3A_158 = arith.index_cast %add3A_157 : i32 to index
    %swap3A_159 = tpu.vector_load %arg5[%swap3A_158] {strides = array<i32>} : memref<32704xf32, #tpu.memory_space<vmem>>, vector<16xf32>,
    tpu.vector_store %arg5[%swap3A_158], %broadcast_in_dim3A_155 {strides = array<i32>} : memref<32704xf32, #tpu.memory_space<vmem>>, vector<16xf32>,
    %broadcast_in_dim3A_160 = arith.constant -3.000000e+38 : f32
    %broadcast_in_dim3A_161 = vector.broadcast %broadcast_in_dim3A_160 : f32 to vector<16xf32>
    %add3A_162 = arith.constant 48 : i32
    %add3A_163 = arith.addi %add3A_141, %add3A_162 : i32
    %swap3A_164 = arith.index_cast %add3A_163 : i32 to index
    %swap3A_165 = tpu.vector_load %arg5[%swap3A_164] {strides = array<i32>} : memref<32704xf32, #tpu.memory_space<vmem>>, vector<16xf32>,
    tpu.vector_store %arg5[%swap3A_164], %broadcast_in_dim3A_161 {strides = array<i32>} : memref<32704xf32, #tpu.memory_space<vmem>>, vector<16xf32>,
    %shift_right_arithmetic3A_166 = arith.constant 4 : i32
    %shift_right_arithmetic3A_167 = arith.shrsi %add3A_141, %shift_right_arithmetic3A_166 : i32
    %add3A_168 = arith.constant 4 : i32
    %add3A_169 = arith.addi %shift_right_arithmetic3A_167, %add3A_168 : i32
    %and3A_170 = arith.constant -4 : i32
    %and3A_171 = arith.andi %add3A_169, %and3A_170 : i32
    %broadcast_in_dim3A_172 = arith.constant -3.000000e+38 : f32
    %broadcast_in_dim3A_173 = vector.broadcast %broadcast_in_dim3A_172 : f32 to vector<16xf32>
    %scan3A_174 = arith.constant 0 : i32
    %scan3A_175 = arith.constant 10 : i32
    %scan3A_176 = arith.addi %scan3A_174, %scan3A_175 : i32
    %scan3A_177 = arith.constant 1 : i32
    %scan3A_178 = scf.for %scan3A_219 = %scan3A_174 to %scan3A_176 step %scan3A_177 iter_args(%scan3A_220 = %broadcast_in_dim3A_173) -> (vector<16xf32>)  : i32 {
      %broadcast_in_dim3A_221 = arith.constant 0.000000e+00 : f32
      %broadcast_in_dim3A_222 = vector.broadcast %broadcast_in_dim3A_221 : f32 to vector<16xf32>
      %broadcast_in_dim3A_223 = arith.constant 0.000000e+00 : f32
      %broadcast_in_dim3A_224 = vector.broadcast %broadcast_in_dim3A_223 : f32 to vector<16xf32>
      %parallel_loop3A_225 = arith.constant 0 : i32
      %parallel_loop3A_226 = arith.constant 1 : i32
      %parallel_loop3A_227:2 = scf.for %parallel_loop3A_262 = %parallel_loop3A_225 to %and3A_171 step %parallel_loop3A_226 iter_args(%parallel_loop3A_263 = %broadcast_in_dim3A_222, %parallel_loop3A_264 = %broadcast_in_dim3A_224) -> (vector<16xf32>, vector<16xf32>)  : i32 {
        %parallel_loop3A_265 = arith.constant 16 : i32
        %parallel_loop3A_266 = arith.muli %parallel_loop3A_262, %parallel_loop3A_265 : i32
        %parallel_loop3A_267 = arith.index_cast %parallel_loop3A_266 : i32 to index
        %parallel_loop3A_268 = tpu.vector_load %arg5[%parallel_loop3A_267] {strides = array<i32>} : memref<32704xf32, #tpu.memory_space<vmem>>, vector<16xf32>,
        %parallel_loop3A_269 = arith.cmpf ogt, %parallel_loop3A_268, %scan3A_220 : vector<16xf32>
        %parallel_loop3A_270 = arith.constant 1.000000e+00 : f32
        %parallel_loop3A_271 = arith.constant 0.000000e+00 : f32
        %parallel_loop3A_272 = vector.broadcast %parallel_loop3A_270 : f32 to vector<16xf32>
        %parallel_loop3A_273 = vector.broadcast %parallel_loop3A_271 : f32 to vector<16xf32>
        %parallel_loop3A_274 = arith.select %parallel_loop3A_269, %parallel_loop3A_272, %parallel_loop3A_273 : vector<16xi1>, vector<16xf32>
        %parallel_loop3A_275 = arith.addf %parallel_loop3A_263, %parallel_loop3A_274 : vector<16xf32>
        %parallel_loop3A_276 = arith.constant 0.000000e+00 : f32
        %parallel_loop3A_277 = vector.broadcast %parallel_loop3A_276 : f32 to vector<16xf32>
        %parallel_loop3A_278 = arith.select %parallel_loop3A_269, %parallel_loop3A_268, %parallel_loop3A_277 : vector<16xi1>, vector<16xf32>
        %parallel_loop3A_279 = arith.addf %parallel_loop3A_264, %parallel_loop3A_278 : vector<16xf32>
        scf.yield %parallel_loop3A_275, %parallel_loop3A_279 : vector<16xf32>, vector<16xf32>
      } {sc.loop_unroll_factor = 4 : i64, sc.parallel_access}
      %broadcast_in_dim3A_228 = arith.constant true
      %broadcast_in_dim3A_229 = vector.broadcast %broadcast_in_dim3A_228 : i1 to vector<16xi1>
      %masked_cumsum3A = tpu.scan <sum>, %parallel_loop3A_227#0 masked %broadcast_in_dim3A_229 : vector<16xf32>, vector<16xi1> -> vector<16xf32>
      %broadcast_in_dim3A_230 = arith.constant 15 : i32
      %broadcast_in_dim3A_231 = vector.broadcast %broadcast_in_dim3A_230 : i32 to vector<16xi32>
      %lt3A_232 = arith.constant 0 : i32
      %lt3A_233 = vector.broadcast %lt3A_232 : i32 to vector<16xi32>
      %lt3A_234 = arith.cmpi slt, %broadcast_in_dim3A_231, %lt3A_233 : vector<16xi32>
      %add3A_235 = arith.constant 16 : i32
      %add3A_236 = vector.broadcast %add3A_235 : i32 to vector<16xi32>
      %add3A_237 = arith.addi %broadcast_in_dim3A_231, %add3A_236 : vector<16xi32>
      %select_n3A_238 = arith.select %lt3A_234, %add3A_237, %broadcast_in_dim3A_231 : vector<16xi1>, vector<16xi32>
      %broadcast_in_dim3A_239 = vector.shape_cast %select_n3A_238 : vector<16xi32> to vector<16x1xi32>
      %gather3A_240 = vector.shape_cast %broadcast_in_dim3A_239 : vector<16x1xi32> to vector<16xi32>
      %gather3A_241 = tpu.dynamic_gather %masked_cumsum3A[%gather3A_240] in [0] : vector<16xf32>, vector<16xi32> -> vector<16xf32>
      %max3A = arith.constant 1.000000e+00 : f32
      %max3A_242 = vector.broadcast %max3A : f32 to vector<16xf32>
      %max3A_243 = arith.maximumf %gather3A_241, %max3A_242 : vector<16xf32>
      %broadcast_in_dim3A_244 = arith.constant true
      %broadcast_in_dim3A_245 = vector.broadcast %broadcast_in_dim3A_244 : i1 to vector<16xi1>
      %masked_cumsum3A_246 = tpu.scan <sum>, %parallel_loop3A_227#1 masked %broadcast_in_dim3A_245 : vector<16xf32>, vector<16xi1> -> vector<16xf32>
      %broadcast_in_dim3A_247 = arith.constant 15 : i32
      %broadcast_in_dim3A_248 = vector.broadcast %broadcast_in_dim3A_247 : i32 to vector<16xi32>
      %lt3A_249 = arith.constant 0 : i32
      %lt3A_250 = vector.broadcast %lt3A_249 : i32 to vector<16xi32>
      %lt3A_251 = arith.cmpi slt, %broadcast_in_dim3A_248, %lt3A_250 : vector<16xi32>
      %add3A_252 = arith.constant 16 : i32
      %add3A_253 = vector.broadcast %add3A_252 : i32 to vector<16xi32>
      %add3A_254 = arith.addi %broadcast_in_dim3A_248, %add3A_253 : vector<16xi32>
      %select_n3A_255 = arith.select %lt3A_251, %add3A_254, %broadcast_in_dim3A_248 : vector<16xi1>, vector<16xi32>
      %broadcast_in_dim3A_256 = vector.shape_cast %select_n3A_255 : vector<16xi32> to vector<16x1xi32>
      %gather3A_257 = vector.shape_cast %broadcast_in_dim3A_256 : vector<16x1xi32> to vector<16xi32>
      %gather3A_258 = tpu.dynamic_gather %masked_cumsum3A_246[%gather3A_257] in [0] : vector<16xf32>, vector<16xi32> -> vector<16xf32>
      %sub3A_259 = arith.constant 1.000000e+00 : f32
      %sub3A_260 = vector.broadcast %sub3A_259 : f32 to vector<16xf32>
      %sub3A_261 = arith.subf %gather3A_258, %sub3A_260 : vector<16xf32>
      %div3A = arith.divf %sub3A_261, %max3A_243 : vector<16xf32>
      scf.yield %div3A : vector<16xf32>
    }
    %scan3A_179 = arith.constant 10 : i32
    %parallel_loop3A_180 = arith.constant 0 : i32
    %parallel_loop3A_181 = arith.constant 2048 : i32
    %parallel_loop3A_182 = arith.constant 1 : i32
    scf.for %parallel_loop3A_219 = %parallel_loop3A_180 to %parallel_loop3A_181 step %parallel_loop3A_182  : i32 {
      %parallel_loop3A_220 = arith.constant 16 : i32
      %parallel_loop3A_221 = arith.muli %parallel_loop3A_219, %parallel_loop3A_220 : i32
      %parallel_loop3A_222 = arith.constant 0 : i32
      %parallel_loop3A_223 = arith.addi %parallel_loop3A_222, %parallel_loop3A_221 : i32
      %parallel_loop3A_224 = arith.index_cast %parallel_loop3A_223 : i32 to index
      %parallel_loop3A_225 = tpu.vector_load %arg4[%parallel_loop3A_224] {strides = array<i32>} : memref<98304xf32, #tpu.memory_space<vmem>>, vector<16xf32>,
      %parallel_loop3A_226 = arith.subf %parallel_loop3A_225, %scan3A_178 : vector<16xf32>
      %parallel_loop3A_227 = arith.constant 0.000000e+00 : f32
      %parallel_loop3A_228 = vector.broadcast %parallel_loop3A_227 : f32 to vector<16xf32>
      %parallel_loop3A_229 = arith.maximumf %parallel_loop3A_226, %parallel_loop3A_228 : vector<16xf32>
      %parallel_loop3A_230 = arith.constant 16 : i32
      %parallel_loop3A_231 = arith.muli %parallel_loop3A_219, %parallel_loop3A_230 : i32
      %parallel_loop3A_232 = arith.constant 0 : i32
      %parallel_loop3A_233 = arith.addi %parallel_loop3A_232, %parallel_loop3A_231 : i32
      %parallel_loop3A_234 = arith.index_cast %parallel_loop3A_233 : i32 to index
      %parallel_loop3A_235 = tpu.vector_load %arg4[%parallel_loop3A_234] {strides = array<i32>} : memref<98304xf32, #tpu.memory_space<vmem>>, vector<16xf32>,
      tpu.vector_store %arg4[%parallel_loop3A_234], %parallel_loop3A_229 {strides = array<i32>} : memref<98304xf32, #tpu.memory_space<vmem>>, vector<16xf32>,
    } {sc.loop_unroll_factor = 8 : i64, sc.parallel_access}
    %add3A_183 = arith.constant 3 : i32
    %add3A_184 = arith.addi %mul3A_2, %add3A_183 : i32
    %dma_start3A_185 = arith.constant 0 : i32
    %dma_start3A_186 = tpu.memref_slice %arg4[%dma_start3A_185] : memref<98304xf32, #tpu.memory_space<vmem>> -> memref<32768xf32, #tpu.memory_space<vmem>>
    %dma_start3A_187 = arith.constant 0 : i32
    %dma_start3A_188 = tpu.memref_slice %arg3[%add3A_184, %dma_start3A_187] : memref<128x32768xf32, #tpu.memory_space<hbm>> -> memref<1x32768xf32, #tpu.memory_space<hbm>>
    %dma_start3A_189 = tpu.memref_squeeze %dma_start3A_188 : memref<1x32768xf32, #tpu.memory_space<hbm>> -> memref<32768xf32, #tpu.memory_space<hbm>>
    %dma_start3A_190 = arith.constant 0 : i32
    %dma_start3A_191 = tpu.memref_slice %arg3[%add3A_184, %dma_start3A_190] : memref<128x32768xf32, #tpu.memory_space<hbm>> -> memref<1x32768xf32, #tpu.memory_space<hbm>>
    %dma_start3A_192 = tpu.memref_squeeze %dma_start3A_191 : memref<1x32768xf32, #tpu.memory_space<hbm>> -> memref<32768xf32, #tpu.memory_space<hbm>>
    %dma_start3A_193 = arith.constant 0 : i32
    %dma_start3A_194 = tpu.memref_slice %arg4[%dma_start3A_193] : memref<98304xf32, #tpu.memory_space<vmem>> -> memref<32768xf32, #tpu.memory_space<vmem>>
    tpu.enqueue_dma source(%dma_start3A_194 : memref<32768xf32, #tpu.memory_space<vmem>>) target(%dma_start3A_192 : memref<32768xf32, #tpu.memory_space<hbm>>) target_semaphore(%arg7 : memref<!tpu.dma_semaphore, #tpu.memory_space<semaphore_mem>>)
    %add3A_195 = arith.constant 2 : i32
    %add3A_196 = arith.addi %mul3A_2, %add3A_195 : i32
    %dma_wait3A_197 = arith.constant 65536 : i32
    %dma_wait3A_198 = tpu.memref_slice %arg4[%dma_wait3A_197] : memref<98304xf32, #tpu.memory_space<vmem>> -> memref<32768xf32, #tpu.memory_space<vmem>>
    %dma_wait3A_199 = arith.constant 0 : i32
    %dma_wait3A_200 = tpu.memref_slice %arg3[%add3A_196, %dma_wait3A_199] : memref<128x32768xf32, #tpu.memory_space<hbm>> -> memref<1x32768xf32, #tpu.memory_space<hbm>>
    %dma_wait3A_201 = tpu.memref_squeeze %dma_wait3A_200 : memref<1x32768xf32, #tpu.memory_space<hbm>> -> memref<32768xf32, #tpu.memory_space<hbm>>
    %dma_wait3A_202 = arith.constant 0 : i32
    %dma_wait3A_203 = tpu.memref_slice %arg3[%add3A_196, %dma_wait3A_202] : memref<128x32768xf32, #tpu.memory_space<hbm>> -> memref<1x32768xf32, #tpu.memory_space<hbm>>
    %dma_wait3A_204 = tpu.memref_squeeze %dma_wait3A_203 : memref<1x32768xf32, #tpu.memory_space<hbm>> -> memref<32768xf32, #tpu.memory_space<hbm>>
    %dma_wait3A_205 = arith.constant 65536 : i32
    %dma_wait3A_206 = tpu.memref_slice %arg4[%dma_wait3A_205] : memref<98304xf32, #tpu.memory_space<vmem>> -> memref<32768xf32, #tpu.memory_space<vmem>>
    tpu.wait_dma2 semaphore(%arg7 : memref<!tpu.dma_semaphore, #tpu.memory_space<semaphore_mem>>) src(%dma_wait3A_206 : memref<32768xf32, #tpu.memory_space<vmem>>) dst(%dma_wait3A_204 : memref<32768xf32, #tpu.memory_space<hbm>>)
    %add3A_207 = arith.constant 3 : i32
    %add3A_208 = arith.addi %mul3A_2, %add3A_207 : i32
    %dma_wait3A_209 = arith.constant 0 : i32
    %dma_wait3A_210 = tpu.memref_slice %arg4[%dma_wait3A_209] : memref<98304xf32, #tpu.memory_space<vmem>> -> memref<32768xf32, #tpu.memory_space<vmem>>
    %dma_wait3A_211 = arith.constant 0 : i32
    %dma_wait3A_212 = tpu.memref_slice %arg3[%add3A_208, %dma_wait3A_211] : memref<128x32768xf32, #tpu.memory_space<hbm>> -> memref<1x32768xf32, #tpu.memory_space<hbm>>
    %dma_wait3A_213 = tpu.memref_squeeze %dma_wait3A_212 : memref<1x32768xf32, #tpu.memory_space<hbm>> -> memref<32768xf32, #tpu.memory_space<hbm>>
    %dma_wait3A_214 = arith.constant 0 : i32
    %dma_wait3A_215 = tpu.memref_slice %arg3[%add3A_208, %dma_wait3A_214] : memref<128x32768xf32, #tpu.memory_space<hbm>> -> memref<1x32768xf32, #tpu.memory_space<hbm>>
    %dma_wait3A_216 = tpu.memref_squeeze %dma_wait3A_215 : memref<1x32768xf32, #tpu.memory_space<hbm>> -> memref<32768xf32, #tpu.memory_space<hbm>>
    %dma_wait3A_217 = arith.constant 0 : i32
    %dma_wait3A_218 = tpu.memref_slice %arg4[%dma_wait3A_217] : memref<98304xf32, #tpu.memory_space<vmem>> -> memref<32768xf32, #tpu.memory_space<vmem>>
    tpu.wait_dma2 semaphore(%arg7 : memref<!tpu.dma_semaphore, #tpu.memory_space<semaphore_mem>>) src(%dma_wait3A_218 : memref<32768xf32, #tpu.memory_space<vmem>>) dst(%dma_wait3A_216 : memref<32768xf32, #tpu.memory_space<hbm>>)
    return
  }
}

</mosaic_0001>

<sc_bundles>
// kernel: kernel.3.cloned.1.call-start
scs
__scs_entry_jumppad:
0x0: {  	(pc) =	sbr.rel $0x88, $3  }
0x1: {  	(tag) =	ssettag $0x0;
	lr =	simm.s32 $0x1  }
0x2: {  	[smem:$0x3FA0] =	sst lr;
	_ =	strace $0xD0000000  }
0x3: {  	_ = 	snop  }
0x4: {  	_ = 	snop  }
0x5: {  	_ = 	snop  }
0x6: {  	_ = 	snop  }
0x7: {  	_ = 	snop  }
__scs_overlays_trampoline_lowered:
0x8: {  	[smem:$0x3FAF] =	sst s0  }
0x9: {  	[smem:$0x3FB0] =	sst s1  }
0xa: {  	[smem:$0x3FB1] =	sst s2  }
0xb: {  	[smem:$0x3FB2] =	sst s3  }
0xc: {  	[smem:$0x3FB3] =	sst s4  }
0xd: {  	[smem:$0x3FB4] =	sst s5  }
0xe: {  	[smem:$0x3FB5] =	sst s6  }
0xf: {  	[smem:$0x3FB6] =	sst s7  }
0x10: {  	[smem:$0x3FB7] =	sst s8  }
0x11: {  	[smem:$0x3FB8] =	sst s9;
	s0 =	simm.s32 @!p0 $0x0  }
0x12: {  	s1 =	sld [smem:$0x3F9E];
	s0 =	simm.s32 @p0 $0x1  }
0x13: {  	[smem:$0x3FB9] =	sst s0;
	s0 =	simm.s32 @!p1 $0x0  }
0x14: {  	s2 =	sld [smem:$0x3F9D];
	s0 =	simm.s32 @p1 $0x1  }
0x15: {  	[smem:$0x3FBA] =	sst s0;
	s0 =	simm.s32 @!p2 $0x0  }
0x16: {  	s3 =	sld [smem:$0x3FDB];
	s0 =	simm.s32 @p2 $0x1  }
0x17: {  	s4 =	simm.s32 $0x1BF5;
	[smem:$0x3FBC] =	sst s0  }
0x18: {  	s0 =	sld [smem:$0x3F9F];
	_ =	swait.ge [sflag:s4], $0x0  }
0x19: {  	s7 =	sld [smem:$0x3FA0]  }
0x1a: {  	s8 =	sadd.s32 $0xFFFFE003, lr  }
0x1b: {  	s9 =	sadd.s32 $0xFFFFFEF7, lr;
	s5 =	simm.s32 $0xFFFFFFFF;
	p2 =	slt.u32 s8, $0xFFFFF086  }
0x1c: {  	p1 =	slt.u32 s9, $0xF7A;
	s5 =	simm.s32 @!p2 $0x0  }
0x1d: {  	s5 =	simm.s32 @p1 $0x1;
	p0 =	seq.s32 s7, s2  }
0x1e: {  	s7 =	smul.u32 @!p0 $0xF7A, s2;
	p2 =	seq.s32 @!p0 s5, $0x0  }
0x1f: {  	s9 =	smul.u32 $0xF7A, s1;
	s8 =	simm.s32 @!p0 $0x1BF5;
	p2 =	por !p2, p0  }
0x20: {  	[sflag:s8] =	ssyncset.s32 @!p0 $0xFFFFF086;
	s6 =	sadd.s32 @!p0 s3, s7;
	s7 =	simm.s32 @!p0 $0x108  }
0x21: {  	s3 =	sadd.s32 s3, s9;
	s6 =	sadd.s32 @!p0 $0x88, s6;
	s7 =	simm.s32 @p2 $0x1082  }
0x22: {  	[simem:s7], [sflag:s8] =	dma.local @!p0 [hbm:s6], $0xF7A  }
0x23: {  	s9 =	sor.u32 $0xD0000000, s2;
	s6 =	simm.s32 $0x108;
	_ =	swait.ge @!p0 [sflag:s8], $0x0  }
0x24: {  	s3 =	sadd.s32 $0x88, s3;
	s6 =	simm.s32 @!p1 $0x1082;
	[sflag:s4] =	ssyncset.s32 $0xFFFFF086  }
0x25: {  	[simem:s6], [sflag:s4] =	dma.local [hbm:s3], $0xF7A  }
0x26: {  	[smem:$0x3FA0] =	sst s1;
	(tag) =	ssettag s2;
	_ =	strace s9  }
0x27: {  	s1 =	sld [smem:$0x3FB0]  }
0x28: {  	s2 =	sld [smem:$0x3FB1]  }
0x29: {  	s4 =	sld [smem:$0x3FB3]  }
0x2a: {  	p0 =	seq.s32 s5, $0x0;
	s5 =	sld [smem:$0x3FB4]  }
0x2b: {  	s6 =	sld [smem:$0x3FB5]  }
0x2c: {  	s7 =	sld [smem:$0x3FB6]  }
0x2d: {  	s3 =	simm.s32 $0x108;
	s8 =	sld [smem:$0x3FB7]  }
0x2e: {  	s3 =	simm.s32 @!p0 $0x1082;
	s9 =	sld [smem:$0x3FB8]  }
0x2f: {  	lr =	sadd.s32 s0, s3;
	s0 =	sld [smem:$0x3FAF]  }
0x30: {  	s3 =	sld [smem:$0x3FB2]  }
0x31: {  	[smem:$0x3FBB] =	sst s10  }
0x32: {  	s10 =	sld [smem:$0x3FB9];
	_ =	sdelay $0x3  }
0x33: {  	p0 =	seq.s32 s10, $0x1;
	s10 =	sld [smem:$0x3FBB];
	_ =	sdelay $0x3  }
0x34: {  	[smem:$0x3FBB] =	sst s10  }
0x35: {  	s10 =	sld [smem:$0x3FBA];
	_ =	sdelay $0x3  }
0x36: {  	p1 =	seq.s32 s10, $0x1;
	s10 =	sld [smem:$0x3FBB];
	_ =	sdelay $0x3  }
0x37: {  	[smem:$0x3FBB] =	sst s10  }
0x38: {  	s10 =	sld [smem:$0x3FBC]  }
0x39: {  	_ = 	snop;
	(pc) =	sbr.ind lr, $3  }
0x3a: {  	_ = 	snop  }
0x3b: {  	_ = 	snop  }
0x3c: {  	p2 =	seq.s32 s10, $0x1;
	s10 =	sld [smem:$0x3FBB]  }
0x3d: {  	_ =	shalt  }
0x3e: {  	_ =	shalt  }
0x3f: {  	_ =	shalt  }
0x40: {  	_ =	shalt  }
0x41: {  	_ =	shalt  }
0x42: {  	_ =	shalt  }
0x43: {  	_ =	shalt  }
0x44: {  	_ =	shalt  }
0x45: {  	_ =	shalt  }
0x46: {  	_ =	shalt  }
0x47: {  	_ =	shalt  }
0x48: {  	_ =	shalt  }
0x49: {  	_ =	shalt  }
0x4a: {  	_ =	shalt  }
0x4b: {  	_ =	shalt  }
0x4c: {  	_ =	shalt  }
0x4d: {  	_ =	shalt  }
0x4e: {  	_ =	shalt  }
0x4f: {  	_ =	shalt  }
0x50: {  	_ =	shalt  }
0x51: {  	_ =	shalt  }
0x52: {  	_ =	shalt  }
0x53: {  	_ =	shalt  }
0x54: {  	_ =	shalt  }
0x55: {  	_ =	shalt  }
0x56: {  	_ =	shalt  }
0x57: {  	_ =	shalt  }
0x58: {  	_ =	shalt  }
0x59: {  	_ =	shalt  }
0x5a: {  	_ =	shalt  }
0x5b: {  	_ =	shalt  }
0x5c: {  	_ =	shalt  }
0x5d: {  	_ =	shalt  }
0x5e: {  	_ =	shalt  }
0x5f: {  	_ =	shalt  }
0x60: {  	_ =	shalt  }
0x61: {  	_ =	shalt  }
0x62: {  	_ =	shalt  }
0x63: {  	_ =	shalt  }
0x64: {  	_ =	shalt  }
0x65: {  	_ =	shalt  }
0x66: {  	_ =	shalt  }
0x67: {  	_ =	shalt  }
0x68: {  	_ =	shalt  }
0x69: {  	_ =	shalt  }
0x6a: {  	_ =	shalt  }
0x6b: {  	_ =	shalt  }
0x6c: {  	_ =	shalt  }
0x6d: {  	_ =	shalt  }
0x6e: {  	_ =	shalt  }
0x6f: {  	_ =	shalt  }
0x70: {  	_ =	shalt  }
0x71: {  	_ =	shalt  }
0x72: {  	_ =	shalt  }
0x73: {  	_ =	shalt  }
0x74: {  	_ =	shalt  }
0x75: {  	_ =	shalt  }
0x76: {  	_ =	shalt  }
0x77: {  	_ =	shalt  }
0x78: {  	_ =	shalt  }
0x79: {  	_ =	shalt  }
0x7a: {  	_ =	shalt  }
0x7b: {  	_ =	shalt  }
0x7c: {  	_ =	shalt  }
0x7d: {  	_ =	shalt  }
0x7e: {  	_ =	shalt  }
0x7f: {  	_ =	shalt  }
0x80: {  	_ =	shalt  }
0x81: {  	_ =	shalt  }
0x82: {  	_ =	shalt  }
0x83: {  	_ =	shalt  }
0x84: {  	_ =	shalt  }
0x85: {  	_ =	shalt  }
0x86: {  	_ =	shalt  }
0x87: {  	_ =	shalt  }
.Lfunc_end0:
.L_simem_size_0:
called_computation_lowered:
.L_overlay_start_0:
0x88: {  	s2 =	sld [smem:$0x3FD9]  }
0x89: {  	s3 =	sld [smem:$0x3FFE];
	_ =	sdelay $0x1  }
0x8a: {  	s1 =	srdreg.scid  }
0x8b: {  	s0 =	sand.u32 $0x1, s1  }
0x8c: {  	s18 =	sshll.u32 s0, $0xA;
	s2 =	sadd.s32 s3, s2  }
0x8d: {  	s2 =	sadd.s32 s2, s18  }
0x8e: {  	[smem:$0x3FC7] =	sst s2  }
0x8f: {  	_ = 	snop  }
0x90: {  	s2 =	sld [smem:$0x3FC9]  }
0x91: {  	s19 =	sld [smem:$0x3FD0];
	(tm) =	ssettm $0x1  }
0x92: {  	s4 =	sld [smem:$0x3FFB];
	_ =	sdelay $0x3  }
0x93: {  	_ =	strace s4  }
0x94: {  	s4 =	sld [smem:$0x3FFC];
	_ =	sdelay $0x3  }
0x95: {  	_ =	strace s4  }
0x96: {  	s4 =	sld [smem:$0x3FFD];
	_ =	sdelay $0x3  }
0x97: {  	_ =	strace s4  }
0x98: {  	_ =	strace $0x8FFFFFFF  }
0x99: {  	s20 =	sld [smem:$0x3FDB];
	_ =	sdelay $0x1  }
0x9a: {  	s5 =	simm.s32 $_scs_section_size  }
0x9b: {  	s6 =	simm.s32 $_size__tile_overlayer_lowered;
	s7 =	simm.s32 $_tile_overlayer_lowered  }
0x9c: {  	s23 =	simm.s32 $0x1BFF;
	s22 =	sshll.u32 s7, $0x1;
	s4 =	sadd.s32 s5, s20  }
0x9d: {  	s8 =	simm.s32 $0x0;
	s21 =	sshll.u32 s6, $0x1;
	s6 =	sadd.s32 s22, s4  }
0x9e: {  	[timem:s8], [sflag:s23] =	dma.local [hbm:s6], s21  }
0x9f: {  	_ =	swait.ge [sflag:s23], s21  }
0xa0: {  	s5 =	ssub.s32 $0x0, s21;
	[sflag:s23] =	ssyncset.done $0x0  }
0xa1: {  	[sflag:s23] =	ssyncadd.s32 s5;
	_ =	sdelay $0x1  }
0xa2: {  	s24 =	simm.s32 $0x1B8B  }
0xa3: {  	_ =	swait.ge [sflag:s24], $0x1  }
0xa4: {  	[sflag:s24] =	ssyncset.done $0x0  }
0xa5: {  	s25 =	simm.s32 $0x1B8E;
	[sflag:s24] =	ssyncadd.s32 $0xFFFFFFFF  }
0xa6: {  	s26 =	simm.s32 $execute0_lowered;
	[smem:$0x3FD2] =	sst s25  }
0xa7: {  	s5 =	sshll.u32 s26, $0x1;
	_ =	strace $0x80000046;
	[dreg:$0x1] =	wrdreg $0xFFFFFFFF  }
0xa8: {  	s28 =	simm.s32 $_size_execute0_lowered;
	s4 =	sadd.s32 s4, s5;
	[dreg:$0x0] =	wrdreg $0x0  }
0xa9: {  	s5 =	sshll.u32 s28, $0x1;
	[dreg:$0x2] =	wrdreg s4  }
0xaa: {  	[dreg:$0x3] =	wrdreg s5  }
0xab: {  	[dreg:$0x4] =	wrdreg $0xC0  }
0xac: {  	_ =	task [dreg:s8], $0x5FFFF  }
0xad: {  	[dreg:$0x1] =	wrdreg $0xFFFFFFFF  }
0xae: {  	[dreg:$0x0] =	wrdreg $0x60  }
0xaf: {  	[dreg:$0x2] =	wrdreg s2  }
0xb0: {  	[dreg:$0x3] =	wrdreg s19  }
0xb1: {  	[dreg:$0x4] =	wrdreg $0x9  }
0xb2: {  	_ =	task.clear_ibuf [dreg:s8], $0x5FFFF;
	_ =	strace $0x90000046  }
0xb3: {  	s29 =	simm.s32 $0x9;
	_ =	strace $0x80000048  }
0xb4: {  	_ =	swait.ge [sflag:s29], $0x1  }
0xb5: {  	[sflag:s29] =	ssyncadd.s32 $0xFFFFFFFF  }
0xb6: {  	_ =	strace $0x90000048  }
0xb7: {  	_ =	sfence  }
0xb8: {  	s30 =	sld [smem:$0x0];
	_ =	sdelay $0x2  }
0xb9: {  	s31 =	sshll.u32 s1, $0xD;
	s1 =	sshrl.u32 s1, $0x2  }
0xba: {  	s3 =	sand.u32 $0x4000, s31;
	s1 =	sadd.s32 s1, s30  }
0xbb: {  	s0 =	sor.u32 s3, s0;
	s1 =	sshll.u32 s1, $0x11  }
0xbc: {  	s0 =	sor.u32 s1, s0  }
0xbd: {  	s0 =	sadd.s32 $0x8F2B, s0  }
0xbe: {  	[sflag:s0] =	ssyncadd.remote.s32 $0x1  }
0xbf: {  	_ =	sfence.sel $0xFFFF  }
0xc0: {  	[dreg:$0x0] =	wrdreg $0xFFFFFFFF;
	(pc) =	sbr.abs _section_cstart, $3  }
0xc1: {  	[dreg:$0x1] =	wrdreg $0xFFFFFFFF  }
0xc2: {  	_ =	task.clear_ibuf [dreg:s8], $0x2FFFF;
	_ =	strace $0x9FFFFFFF  }
0xc3: {  	(tm) =	ssettm $0x7FFFFFFF  }
tec
execute0_lowered:
.L_overlay_start_1:
0x0: {  	(tag) =	ssettag $0x1  }
0x1: {  	s1 =	rddreg [dreg:$0x0]  }
0x2: {  	s9 =	rddreg [dreg:$0x1]  }
0x3: {  	s0 =	rddreg [dreg:$0x2];
	s3 =	simm.s32 $0x0  }
0x4: {  	[smem:$0x7FF] =	sst s3  }
0x5: {  	s4 =	srdreg.scid;
	s2 =	stileid.u32;
	v0 =	vimm.f32 $-3.000000010e+38;
	_ =	strace $0x80000047  }
0x6: {  	s13 =	simm.s32 $0x8000;
	s14 =	simm.s32 $0x18000;
	s15 =	simm.s32 $0x400;
	(xrf0) =	vmax.scan.msk.f32 $0xffff, v0  }
0x7: {  	s16 =	simm.s32 $0x2;
	s17 =	simm.s32 $0x0;
	s4 =	sand.u32 $0x1, s4  }
0x8: {  	s8 =	sshll.u32 s2, $0xF;
	s11 =	sshll.u32 s2, $0x3;
	s6 =	ssub.s32 $0x2, s4  }
0x9: {  	s5 =	sshll.u32 s4, $0x6;
	s4 =	sshll.u32 s4, $0x2;
	s7 =	sshrl.u32 s6, $0x1  }
0xa: {  	s10 =	sor.u32 s5, s8;
	s31 =	sor.u32 s11, s4;
	s8 =	sadd.s32 s9, s8  }
0xb: {  	s11 =	simm.s32 $0x80;
	s5 =	sadd.s32 s1, s10;
	s12 =	ssub.s32 s6, s7  }
0xc: {  	s7 =	sor.u32 $0x2, s31;
	s9 =	sadd.s32 s10, s9;
	s6 =	sadd.s32 $0x10, s5;
	_, v1, _ =	vpop (xrf0)  }
0xd: {  	v2 =	vimm.s32 $0x1;
	v3 =	vimm.f32 $0.0e+00;
	s9 =	sadd.s32 $0x30, s9;
	s10 =	smax.u32 s12, $0x1;
	s12 =	simm.s32 $0x1;
	v1 =	vimm.s32 $0xF  }
.LBB2_1:
0xe: {  	[tilespmem:s3], [sflag:$0x1] =	stream.strided.gather [hbm4b:s5+s11], $0x8000, s15, s11, $0x38;
	v63 =	vld [tilespmem:$0x0]  }
0xf: {  	_ =	swait.ge [sflag:s12], $0x8000  }
0x10: {  	[sflag:s12] =	ssyncset.done $0x0  }
0x11: {  	[sflag:s12] =	ssyncadd.s32 $0xFFFF8000  }
0x12: {  	[tilespmem:s13], [sflag:$0x1] =	stream.strided.gather [hbm4b:s6+s11], $0x8000, s15, s11, $0x38;
	v63 =	vld [tilespmem:$0x0]  }
0x13: {  	v6 =	vld [tilespmem:s15+$0xFFFFFC00]  }
0x14: {  	v7 =	vld [tilespmem:s15+$0xFFFFFD00]  }
0x15: {  	v8 =	vld [tilespmem:s15+$0xFFFFFE00]  }
0x16: {  	v5 =	vld [tilespmem:s15+$0xFFFFFF00]  }
0x17: {  	v4 =	vld [tilespmem:s15+$0x0]  }
0x18: {  	v9 =	vmax.f32 v0, v6;
	v6 =	vld [tilespmem:s15+$0x100]  }
0x19: {  	v9 =	vmax.f32 v9, v7;
	v7 =	vld [tilespmem:s15+$0x200]  }
0x1a: {  	s18 =	simm.s32 $0x0;
	s19 =	simm.s32 $0xC00;
	v9 =	vmax.f32 v9, v8;
	v8 =	vld [tilespmem:s15+$0x300]  }
.LBB2_2:
0x1b: {  	v10 =	vld [tilespmem:s19+$0xFFFFFC00];
	s18 =	sadd.s32 $0x8, s18;
	v5 =	vmax.f32 v9, v5  }
0x1c: {  	v9 =	vld [tilespmem:s19+$0xFFFFFD00];
	p0 =	slt.u32 s18, $0x78;
	v4 =	vmax.f32 v5, v4  }
0x1d: {  	v11 =	vld [tilespmem:s19+$0xFFFFFE00];
	v4 =	vmax.f32 v4, v6  }
.Ltmp0:
0x1e: {  	v5 =	vld [tilespmem:s19+$0xFFFFFF00];
	v6 =	vmax.f32 v4, v7;
	(pc) =	sbr.rel @p0 .LBB2_2-.Ltmp0, $4  }
0x1f: {  	v4 =	vld [tilespmem:s19+$0x0];
	v6 =	vmax.f32 v6, v8  }
0x20: {  	v7 =	vmax.f32 v6, v10;
	v6 =	vld [tilespmem:s19+$0x100]  }
0x21: {  	v8 =	vmax.f32 v7, v9;
	v7 =	vld [tilespmem:s19+$0x200]  }
0x22: {  	v9 =	vmax.f32 v8, v11;
	v8 =	vld [tilespmem:s19+$0x300];
	s19 =	sadd.s32 $0x800, s19  }
0x23: {  	v5 =	vmax.f32 v9, v5  }
0x24: {  	v4 =	vmax.f32 v5, v4  }
0x25: {  	v4 =	vmax.f32 v4, v6  }
0x26: {  	v4 =	vmax.f32 v4, v7  }
0x27: {  	v4 =	vmax.f32 v4, v8  }
0x28: {  	(xrf0) =	vmax.scan.msk.f32 $0xffff, v4;
	_ =	sdelay $0x4  }
0x29: {  	s18 =	simm.s32 $0x40  }
0x2a: {  	v12 =	vld [tilespmem:s18+$0xFFFFFFC0];
	v4, _, _ =	vpop (xrf0)  }
0x2b: {  	v13 =	vld [tilespmem:s18+$0xFFFFFFD0];
	v4 =	vperm.xlane v4, v1  }
0x2c: {  	v15 =	vld [tilespmem:s18+$0xFFFFFFE0]  }
0x2d: {  	v17 =	vld [tilespmem:s18+$0xFFFFFFF0];
	v5 =	vadd.f32 $-1.000000000e+00, v4;
	_ =	sdelay $0x1  }
0x2e: {  	v4 =	vld [tilespmem:s18+$0x10];
	vm4 =	vgt.f32 v12, v5  }
0x2f: {  	v20 =	vld [tilespmem:s18+$0x0];
	vm0 =	vgt.f32 v13, v5;
	v8 =	vmpcnt.ones.xlane vm4  }
0x30: {  	v9 =	vimm.s32 $0xFFFFFFFF;
	vm1 =	vgt.f32 v15, v5;
	v10 =	vmpcnt.ones.xlane vm0  }
0x31: {  	v6 =	vld [tilespmem:s18+$0x20];
	vm2 =	vgt.f32 v17, v5;
	(xrf0) =	vadd.scan.msk.s32 vm4, v2;
	v11 =	vmpcnt.ones.xlane vm1;
	v8 =	vadd.s32 v9, v8  }
0x32: {  	v7 =	vld [tilespmem:s18+$0x30];
	v14 =	vmpcnt.ones.xlane vm2;
	(xrf0) =	vadd.scan.msk.s32 vm0, v2;
	v10 =	vadd.s32 v8, v10  }
0x33: {  	vm5 =	vgt.f32 v4, v5;
	v11 =	vadd.s32 v10, v11  }
0x34: {  	vm3 =	vgt.f32 v20, v5;
	(xrf0) =	vadd.scan.msk.s32 vm1, v2;
	v18 =	vadd.s32 v11, v14;
	v14 =	vmpcnt.ones.xlane vm5  }
0x35: {  	v16 =	vmpcnt.ones.xlane vm3;
	(xrf0) =	vadd.scan.msk.s32 vm2, v2  }
0x36: {  	(xrf0) =	vadd.scan.msk.s32 vm3, v2  }
0x37: {  	vm6 =	vgt.f32 v6, v5;
	vm7 =	vgt.f32 v7, v5;
	(xrf0) =	vadd.scan.msk.s32 vm5, v2;
	v16 =	vadd.s32 v18, v16;
	v19, _, _ =	vpop (xrf0)  }
0x38: {  	v21 =	vmpcnt.ones.xlane vm6;
	v9 =	vadd.s32 v9, v19;
	v19 =	vadd.s32 v16, v14;
	v14, _, _ =	vpop (xrf0)  }
0x39: {  	v22 =	vmpcnt.ones.xlane vm7;
	(xrf0) =	vadd.scan.msk.s32 vm6, v2;
	v8 =	vadd.s32 v8, v14  }
0x3a: {  	vm8 =	vlt.s32 v9, $0x7F70;
	v21 =	vadd.s32 v19, v21;
	(xrf0) =	vadd.scan.msk.s32 vm7, v2;
	v14, _, _ =	vpop (xrf0);
	vm9 =	vlt.s32 v8, $0x7F70  }
0x3b: {  	s18 =	simm.s32 $0xC0;
	v10 =	vadd.s32 v10, v14;
	v23, _, _ =	vpop (xrf0);
	v14 =	vadd.s32 v21, v22;
	v22 =	vnsel vm8, $0x7F70, v9  }
0x3c: {  	v11 =	vadd.s32 v11, v23;
	v9, _, _ =	vpop (xrf0);
	vm8 =	vlt.s32 v10, $0x7F70;
	v23 =	vnsel vm9, $0x7F70, v8;
	v8 =	vld [tilespmem:s18+$0xFFFFFFC0]  }
0x3d: {  	vm9 =	vlt.s32 v11, $0x7F70;
	v24, _, _ =	vpop (xrf0);
	v18 =	vadd.s32 v18, v9;
	v25 =	vnsel vm8, $0x7F70, v10;
	v9 =	vld [tilespmem:s18+$0xFFFFFFD0]  }
0x3e: {  	v16 =	vadd.s32 v16, v24;
	vm8 =	vlt.s32 v18, $0x7F70;
	v24 =	vnsel vm9, $0x7F70, v11  }
0x3f: {  	v10, _, _ =	vpop (xrf0);
	v26 =	vnsel vm8, $0x7F70, v18  }
0x40: {  	vm6 =	vmmov vm6;
	v11, _, _ =	vpop (xrf0);
	v19 =	vadd.s32 v19, v10;
	v10 =	vld [tilespmem:s18+$0xFFFFFFE0];
	[tilespmem:v22+s14+$0x0] =	vst.idx.msk vm4, v12  }
0x41: {  	vm9 =	vlt.s32 v16, $0x7F70;
	v21 =	vadd.s32 v21, v11;
	v11 =	vld [tilespmem:s18+$0xFFFFFFF0];
	[tilespmem:v23+s14+$0x0] =	vst.idx.msk vm0, v13;
	vm0 =	vgt.f32 v8, v5  }
0x42: {  	vm8 =	vlt.s32 v19, $0x7F70;
	v12 =	vld [tilespmem:s18+$0x0];
	[tilespmem:v25+s14+$0x0] =	vst.idx.msk vm1, v15;
	v15 =	vmpcnt.ones.xlane vm0;
	vm1 =	vgt.f32 v9, v5  }
0x43: {  	v16 =	vnsel vm9, $0x7F70, v16;
	vm4 =	vlt.s32 v21, $0x7F70;
	v13 =	vld [tilespmem:s18+$0x10];
	[tilespmem:v24+s14+$0x0] =	vst.idx.msk vm2, v17;
	v17 =	vmpcnt.ones.xlane vm1  }
0x44: {  	v18 =	vnsel vm8, $0x7F70, v19;
	(xrf0) =	vadd.scan.msk.s32 vm0, v2;
	[tilespmem:v26+s14+$0x0] =	vst.idx.msk vm3, v20;
	v20 =	vadd.s32 v14, v15;
	v15 =	vld [tilespmem:s18+$0x20]  }
0x45: {  	v19 =	vnsel vm4, $0x7F70, v21;
	(xrf0) =	vadd.scan.msk.s32 vm1, v2;
	vm2 =	vgt.f32 v10, v5;
	v21 =	vadd.s32 v20, v17;
	v17 =	vld [tilespmem:s18+$0x30]  }
0x46: {  	vm8 =	vmmov vm7;
	v22 =	vmpcnt.ones.xlane vm2;
	vm3 =	vgt.f32 v11, v5;
	(xrf0) =	vadd.scan.msk.s32 vm2, v2  }
0x47: {  	vm7 =	vmmov vm5;
	vm4 =	vgt.f32 v12, v5;
	v23 =	vmpcnt.ones.xlane vm3;
	(xrf0) =	vadd.scan.msk.s32 vm3, v2  }
0x48: {  	s19 =	simm.s32 $0x8;
	v24 =	vmpcnt.ones.xlane vm4;
	vm5 =	vgt.f32 v13, v5;
	v22 =	vadd.s32 v21, v22;
	(xrf0) =	vadd.scan.msk.s32 vm4, v2  }
.LBB2_4:
0x49: {  	s19 =	sadd.s32 $0x8, s19;
	v23 =	vadd.s32 v22, v23;
	v25 =	vmpcnt.ones.xlane vm5;
	vm9 =	vgt.f32 v15, v5;
	(xrf0) =	vadd.scan.msk.s32 vm5, v2  }
0x4a: {  	p0 =	slt.u32 s19, $0x7F8;
	v24 =	vadd.s32 v23, v24;
	v26 =	vmpcnt.ones.xlane vm9;
	vm10 =	vgt.f32 v17, v5;
	v27, _, _ =	vpop (xrf0);
	(xrf0) =	vadd.scan.msk.s32 vm9, v2  }
0x4b: {  	v27 =	vadd.s32 v14, v27;
	v25 =	vadd.s32 v24, v25;
	v14 =	vmpcnt.ones.xlane vm10;
	v28, _, _ =	vpop (xrf0);
	(xrf0) =	vadd.scan.msk.s32 vm10, v2  }
0x4c: {  	vm11 =	vlt.s32 v27, $0x7F70;
	v20 =	vadd.s32 v20, v28;
	v26 =	vadd.s32 v25, v26;
	v28, _, _ =	vpop (xrf0);
	[tilespmem:v19+s14+$0x0] =	vst.idx.msk vm8, v7  }
0x4d: {  	vm8 =	vlt.s32 v20, $0x7F70;
	v7 =	vadd.s32 v21, v28;
	v14 =	vadd.s32 v26, v14;
	v19, _, _ =	vpop (xrf0);
	[tilespmem:v18+s14+$0x0] =	vst.idx.msk vm6, v6  }
0x4e: {  	v18 =	vnsel vm11, $0x7F70, v27;
	vm6 =	vlt.s32 v7, $0x7F70;
	v6 =	vadd.s32 v22, v19;
	v19, _, _ =	vpop (xrf0);
	[tilespmem:v16+s14+$0x0] =	vst.idx.msk vm7, v4  }
0x4f: {  	s18 =	sadd.s32 $0x80, s18;
	v20 =	vnsel vm8, $0x7F70, v20;
	vm7 =	vlt.s32 v6, $0x7F70;
	v4 =	vadd.s32 v23, v19;
	v16, _, _ =	vpop (xrf0)  }
0x50: {  	v22 =	vnsel vm6, $0x7F70, v7;
	v21 =	vld [tilespmem:s18+$0xFFFFFFC0];
	vm6 =	vlt.s32 v4, $0x7F70;
	v7 =	vadd.s32 v24, v16;
	v16, _, _ =	vpop (xrf0)  }
0x51: {  	v24 =	vnsel vm7, $0x7F70, v6;
	v23 =	vld [tilespmem:s18+$0xFFFFFFD0];
	vm7 =	vlt.s32 v7, $0x7F70;
	v19 =	vadd.s32 v25, v16;
	v6, _, _ =	vpop (xrf0)  }
0x52: {  	v27 =	vnsel vm6, $0x7F70, v4;
	v25 =	vld [tilespmem:s18+$0xFFFFFFE0];
	vm6 =	vlt.s32 v19, $0x7F70;
	v26 =	vadd.s32 v26, v6;
	v4 =	vmovc v13;
	v6 =	vmovc v15  }
0x53: {  	v16 =	vnsel vm7, $0x7F70, v7;
	v28 =	vld [tilespmem:s18+$0xFFFFFFF0];
	[tilespmem:v18+s14+$0x0] =	vst.idx.msk vm0, v8;
	v18 =	vnsel vm6, $0x7F70, v19;
	vm0 =	vlt.s32 v26, $0x7F70;
	v7 =	vmovc v17  }
0x54: {  	vm8 =	vmmov vm10;
	vm6 =	vmmov vm9;
	v29 =	vld [tilespmem:s18+$0x0];
	[tilespmem:v20+s14+$0x0] =	vst.idx.msk vm1, v9;
	v19 =	vnsel vm0, $0x7F70, v26  }
0x55: {  	vm7 =	vmmov vm5;
	vm0 =	vgt.f32 v21, v5;
	v13 =	vld [tilespmem:s18+$0x10];
	[tilespmem:v22+s14+$0x0] =	vst.idx.msk vm2, v10;
	v8 =	vmov v21  }
.Ltmp1:
0x56: {  	v20 =	vmpcnt.ones.xlane vm0;
	vm1 =	vgt.f32 v23, v5;
	v15 =	vld [tilespmem:s18+$0x20];
	(xrf0) =	vadd.scan.msk.s32 vm0, v2;
	[tilespmem:v24+s14+$0x0] =	vst.idx.msk vm3, v11;
	v9 =	vmovc v23;
	(pc) =	sbr.rel @p0 .LBB2_4-.Ltmp1, $4  }
0x57: {  	v21 =	vmpcnt.ones.xlane vm1;
	vm2 =	vgt.f32 v25, v5;
	v17 =	vld [tilespmem:s18+$0x30];
	(xrf0) =	vadd.scan.msk.s32 vm1, v2;
	[tilespmem:v27+s14+$0x0] =	vst.idx.msk vm4, v12;
	v10 =	vmovc v25  }
0x58: {  	v20 =	vadd.s32 v14, v20;
	v22 =	vmpcnt.ones.xlane vm2;
	vm3 =	vgt.f32 v28, v5;
	(xrf0) =	vadd.scan.msk.s32 vm2, v2;
	v11 =	vmovc v28  }
0x59: {  	v21 =	vadd.s32 v20, v21;
	v23 =	vmpcnt.ones.xlane vm3;
	vm4 =	vgt.f32 v29, v5;
	(xrf0) =	vadd.scan.msk.s32 vm3, v2;
	v12 =	vmovc v29  }
0x5a: {  	v22 =	vadd.s32 v21, v22;
	v24 =	vmpcnt.ones.xlane vm4;
	vm5 =	vgt.f32 v13, v5;
	(xrf0) =	vadd.scan.msk.s32 vm4, v2  }
0x5b: {  	v23 =	vadd.s32 v22, v23;
	v25 =	vmpcnt.ones.xlane vm5;
	vm9 =	vgt.f32 v15, v5  }
0x5c: {  	v24 =	vadd.s32 v23, v24;
	v26 =	vmpcnt.ones.xlane vm9;
	vm10 =	vgt.f32 v17, v5  }
0x5d: {  	v5 =	vadd.s32 v24, v25;
	v49 =	vmpcnt.ones.xlane vm10  }
0x5e: {  	v26 =	vadd.s32 v5, v26  }
0x5f: {  	v25 =	vadd.s32 v26, v49  }
0x60: {  	(v2sf) =	vpush v25, $0x0;
	_ =	sdelay $0x1  }
0x61: {  	(xrf0) =	vadd.scan.msk.s32 vm5, v2  }
0x62: {  	v50, _, _ =	vpop (xrf0);
	(xrf0) =	vadd.scan.msk.s32 vm9, v2  }
0x63: {  	v27, _, _ =	vpop (xrf0);
	(xrf0) =	vadd.scan.msk.s32 vm10, v2;
	v14 =	vadd.s32 v14, v50  }
0x64: {  	v28, _, _ =	vpop (xrf0);
	v20 =	vadd.s32 v20, v27;
	vm11 =	vlt.s32 v14, $0x7F70  }
0x65: {  	v51, _, _ =	vpop (xrf0);
	vm12 =	vlt.s32 v20, $0x7F70;
	v21 =	vadd.s32 v21, v28;
	v14 =	vnsel vm11, $0x7F70, v14  }
0x66: {  	v52, _, _ =	vpop (xrf0);
	vm11 =	vlt.s32 v21, $0x7F70;
	v53 =	vadd.s32 v22, v51;
	v20 =	vnsel vm12, $0x7F70, v20  }
0x67: {  	[tilespmem:v19+s14+$0x0] =	vst.idx.msk vm8, v7;
	v54, _, _ =	vpop (xrf0);
	vm12 =	vlt.s32 v53, $0x7F70;
	v23 =	vadd.s32 v23, v52;
	v56 =	vnsel vm11, $0x7F70, v21  }
0x68: {  	[tilespmem:v18+s14+$0x0] =	vst.idx.msk vm6, v6;
	v55, _, _ =	vpop (xrf0);
	vm14 =	vlt.s32 v23, $0x7F70;
	v57 =	vadd.s32 v24, v54;
	v59 =	vnsel vm12, $0x7F70, v53  }
0x69: {  	[tilespmem:v16+s14+$0x0] =	vst.idx.msk vm7, v4;
	v58, _, _ =	vpop (xrf0);
	v5 =	vadd.s32 v5, v55;
	v4 =	vnsel vm14, $0x7F70, v23;
	vm14 =	vlt.s32 v57, $0x7F70  }
0x6a: {  	v60 =	vadd.s32 v26, v58;
	vm12 =	vlt.s32 v5, $0x7F70;
	[tilespmem:v14+s14+$0x0] =	vst.idx.msk vm0, v8;
	v62 =	vnsel vm14, $0x7F70, v57  }
0x6b: {  	vm15 =	vlt.s32 v60, $0x7F70;
	v5 =	vnsel vm12, $0x7F70, v5;
	[tilespmem:v20+s14+$0x0] =	vst.idx.msk vm1, v9  }
0x6c: {  	v61 =	vnsel vm15, $0x7F70, v60;
	[tilespmem:v56+s14+$0x0] =	vst.idx.msk vm2, v10  }
0x6d: {  	[tilespmem:v59+s14+$0x0] =	vst.idx.msk vm3, v11  }
0x6e: {  	[tilespmem:v4+s14+$0x0] =	vst.idx.msk vm4, v12;
	s18 =	spop (v2sf)  }
0x6f: {  	[tilespmem:v62+s14+$0x0] =	vst.idx.msk vm5, v13;
	s22 =	sadd.s32 $0x1, s18  }
0x70: {  	[tilespmem:v5+s14+$0x0] =	vst.idx.msk vm9, v15;
	p0 =	slt.s32 s22, $0x7F70  }
0x71: {  	[tilespmem:v61+s14+$0x0] =	vst.idx.msk vm10, v17;
	s22 =	simm.s32 @!p0 $0x7F70  }
0x72: {  	[tilespmem:s22+$0x18000] =	vst v0  }
0x73: {  	[tilespmem:s22+$0x18010] =	vst v0  }
0x74: {  	[tilespmem:s22+$0x18020] =	vst v0  }
0x75: {  	s19 =	simm.s32 $0x0;
	vm13 =	vmmov vm9;
	vm11 =	vmmov vm10;
	vm15 =	vmmov vm5;
	s18 =	simm.s32 $0x40;
	[tilespmem:s22+$0x18030] =	vst v0  }
.LBB2_6:
0x76: {  	s20 =	sshra.s32 s22, $0x4  }
0x77: {  	p0 =	slt.s32 s20, $0x0  }
.Ltmp2:
0x78: {  	_ = 	snop;
	(pc) =	sbr.rel @p0 .LBB2_9-.Ltmp2, $1  }
0x79: {  	_ =	sdelay $0x3  }
0x7a: {  	s21 =	sand.u32 $0xFFFFFFFC, s20  }
0x7b: {  	p1 =	slt.s32 s21, $0x4  }
.Ltmp3:
0x7c: {  	_ = 	snop;
	(pc) =	sbr.rel @p1 .LBB2_8-.Ltmp3, $4  }
0x7d: {  	s23 =	simm.s32 $0x18020  }
0x7e: {  	v9 =	vld [tilespmem:s23+$0x0]  }
0x7f: {  	v5 =	vld [tilespmem:s23+$0xFFFFFFE0]  }
0x80: {  	v4 =	vimm.f32 $-3.000000010e+38;
	s22 =	simm.s32 $0x18060;
	p0 =	por $0x0, $0x0;
	v6 =	vld [tilespmem:s23+$0xFFFFFFF0]  }
0x81: {  	p1 =	slt.s32 s21, $0x8  }
.Ltmp4:
0x82: {  	_ = 	snop;
	(pc) =	sbr.rel @p1 .LBB2_11-.Ltmp4, $4  }
0x83: {  	v7 =	vld [tilespmem:s23+$0x10]  }
0x84: {  	v8 =	vld [tilespmem:s22+$0x0];
	v10 =	vmax.f32 v4, v5  }
0x85: {  	v5 =	vld [tilespmem:s22+$0xFFFFFFE0];
	v10 =	vmax.f32 v10, v6  }
0x86: {  	s23 =	simm.s32 $0x8;
	s24 =	simm.s32 $0x180A0;
	p0 =	por $0x1, $0x1;
	v6 =	vld [tilespmem:s22+$0xFFFFFFF0];
	v10 =	vmax.f32 v10, v9  }
.LBB2_12:
0x87: {  	s23 =	sadd.s32 $0x4, s23  }
0x88: {  	v9 =	vld [tilespmem:s24+$0x0];
	v10 =	vmax.f32 v10, v7;
	p1 =	sgt.s32 s23, s21  }
.Ltmp5:
0x89: {  	v7 =	vld [tilespmem:s22+$0x10];
	s22 =	smov.u32 s24;
	(pc) =	sbr.rel @!p1 .LBB2_12-.Ltmp5, $4  }
0x8a: {  	_ = 	snop  }
0x8b: {  	v10 =	vmax.f32 v10, v5  }
0x8c: {  	v5 =	vld [tilespmem:s24+$0xFFFFFFE0];
	v10 =	vmax.f32 v10, v6  }
0x8d: {  	s24 =	sadd.s32 $0x40, s24;
	v6 =	vld [tilespmem:s22+$0xFFFFFFF0];
	v10 =	vmax.f32 v10, v8;
	v8 =	vmov v9  }
0x8e: {  	s23 =	smov.u32 s22;
	v9 =	vmov v8  }
.LBB2_14:
0x8f: {  	v7 =	vmax.f32 @p0 v10, v7;
	v8 =	vld [tilespmem:s23+$0x10]  }
0x90: {  	v4 =	vpsel p0, v7, v4  }
0x91: {  	v4 =	vmax.f32 v4, v5  }
0x92: {  	v4 =	vmax.f32 v4, v6  }
0x93: {  	v4 =	vmax.f32 v4, v9  }
0x94: {  	v4 =	vmax.f32 v4, v8  }
0x95: {  	(xrf0) =	vmax.scan.msk.f32 $0xffff, v4;
	_ =	sdelay $0x4  }
0x96: {  	s21 =	simm.s32 $0x18000  }
0x97: {  	v6 =	vld [tilespmem:s21+$0x0];
	v4, _, _ =	vpop (xrf0)  }
0x98: {  	v4 =	vperm.xlane v4, v1;
	_ =	sdelay $0x1  }
0x99: {  	v4 =	vadd.f32 $-1.000000000e+00, v4;
	_ =	sdelay $0x1  }
0x9a: {  	vm0 =	vgt.f32 v6, v4  }
0x9b: {  	(xrf0) =	vadd.scan.msk.s32 vm0, v2  }
0x9c: {  	s20 =	sor.u32 $0x3, s20  }
0x9d: {  	p0 =	sgt.s32 s20, $0x0  }
.Ltmp6:
0x9e: {  	_ = 	snop;
	(pc) =	sbr.rel @!p0 .LBB2_16-.Ltmp6, $4  }
0x9f: {  	_ = 	snop  }
0xa0: {  	v5 =	vmpcnt.ones.xlane vm0  }
0xa1: {  	v7 =	vimm.s32 $0xFFFFFFFF;
	v8, _, _ =	vpop (xrf0)  }
0xa2: {  	s22 =	simm.s32 $0x0;
	v5 =	vadd.s32 v7, v5;
	v7 =	vadd.s32 v7, v8  }
.LBB2_15:
0xa3: {  	_ =	sdelay $0x3  }
0xa4: {  	s22 =	sadd.s32 $0x1, s22;
	[tilespmem:v7+s14+$0x0] =	vst.idx.msk vm0, v6;
	s21 =	sadd.s32 $0x10, s21;
	v7 =	vmov v5  }
0xa5: {  	v6 =	vld [tilespmem:s21+$0x0];
	p0 =	slt.s32 s22, s20;
	_ =	sdelay $0x4  }
0xa6: {  	vm0 =	vgt.f32 v6, v4  }
0xa7: {  	v8 =	vmpcnt.ones.xlane vm0;
	(xrf0) =	vadd.scan.msk.s32 vm0, v2;
	_ =	sdelay $0x1  }
0xa8: {  	v5 =	vadd.s32 v5, v8  }
.Ltmp7:
0xa9: {  	(pc) =	sbr.rel @p0 .LBB2_15-.Ltmp7, $3  }
0xaa: {  	_ =	sdelay $0x1  }
0xab: {  	v8, _, _ =	vpop (xrf0)  }
0xac: {  	v7 =	vadd.s32 v7, v8  }
.LBB2_16:
0xad: {  	_ = 	snop  }
.Ltmp8:
0xae: {  	_ = 	snop;
	(pc) =	sbr.rel .LBB2_17-.Ltmp8, $2  }
0xaf: {  	_ =	sdelay $0x2  }
0xb0: {  	[tilespmem:v7+s14+$0x0] =	vst.idx.msk vm0, v6  }
.LBB2_9:
0xb1: {  	v5 =	vimm.s32 $0xFFFFFFFF  }
.LBB2_17:
0xb2: {  	(v2sf) =	vpush v5, $0x0;
	_ =	sdelay $0xe  }
.Ltmp9:
0xb3: {  	v4 =	vimm.f32 $-3.000000010e+38;
	s22 =	spop (v2sf);
	(pc) =	sbr.rel .LBB2_18-.Ltmp9, $4  }
0xb4: {  	s20 =	sadd.s32 $0x1, s19;
	[tilespmem:s22+$0x18001] =	vst v4  }
0xb5: {  	p0 =	seq.s32 s20, $0x3;
	s21 =	sshll.u32 s20, $0xF;
	s23 =	sadd.s32 $0x1, s22;
	[tilespmem:s22+$0x18011] =	vst v4  }
0xb6: {  	s21 =	simm.s32 @p0 $0x0;
	[tilespmem:s22+$0x18021] =	vst v4;
	s24 =	sshra.s32 s23, $0x4  }
0xb7: {  	[tilespmem:s22+$0x18031] =	vst v4;
	s23 =	simm.s32 $0x0;
	s22 =	sand.u32 $0xFFFFFFFC, s24;
	p0 =	slt.s32 s24, $0x0  }
.LBB2_19:
0xb8: {  	v4 =	vimm.f32 $0.0e+00;
	v5 =	vimm.f32 $0.0e+00  }
.LBB2_20:
0xb9: {  	(xrf2) =	vadd.scan.msk.f32 $0xffff, v4;
	_ =	sdelay $0x8  }
0xba: {  	(xrf2) =	vadd.scan.msk.f32 $0xffff, v5  }
0xbb: {  	v4, _, _ =	vpop (xrf2)  }
0xbc: {  	v4 =	vperm.xlane v4, v1;
	_ =	sdelay $0x1  }
0xbd: {  	v4 =	vmax.f32 v4, $1.000000000e+00  }
0xbe: {  	(erf) = vrcp.f32 v4;
	_ =	sdelay $0x3  }
0xbf: {  	s23 =	sadd.s32 $0x1, s23  }
0xc0: {  	p1 =	seq.s32 s23, $0xA;
	v4, _, _ =	vpop (xrf2)  }
.Ltmp10:
0xc1: {  	v4 =	vperm.xlane v4, v1;
	(pc) =	sbr.rel @p1 .LBB2_21-.Ltmp10, $4  }
0xc2: {  	_ = 	snop  }
0xc3: {  	v4 =	vadd.f32 $-1.000000000e+00, v4  }
0xc4: {  	v5 =	vpop (erf)  }
0xc5: {  	v4 =	vmul.f32 v5, v4  }
.LBB2_18:
.Ltmp11:
0xc6: {  	(pc) =	sbr.rel @p0 .LBB2_19-.Ltmp11, $1  }
0xc7: {  	_ =	sdelay $0x3  }
0xc8: {  	s25 =	simm.s32 $0x18020  }
0xc9: {  	v6 =	vld [tilespmem:s25+$0xFFFFFFE0];
	_ =	sdelay $0x1  }
0xca: {  	p1 =	slt.s32 s22, $0x4;
	v7 =	vld [tilespmem:s25+$0xFFFFFFF0]  }
.Ltmp12:
0xcb: {  	_ = 	snop;
	(pc) =	sbr.rel @p1 .LBB2_31-.Ltmp12, $4  }
0xcc: {  	v5 =	vld [tilespmem:s25+$0x0]  }
0xcd: {  	vm0 =	vgt.f32 v6, v4  }
0xce: {  	v9 =	vimm.f32 $0.0e+00;
	v8 =	vsel vm0, $0x3F800000, v3;
	v10 =	vnsel vm0, $0x0, v6;
	v6 =	vld [tilespmem:s25+$0x10]  }
0xcf: {  	s24 =	simm.s32 $0x4;
	vm0 =	vgt.f32 v7, v4;
	s25 =	simm.s32 $0x18060;
	v8 =	vadd.f32 v8, v9;
	v9 =	vadd.f32 v10, v9  }
.LBB2_30:
0xd0: {  	v10 =	vld [tilespmem:s25+$0xFFFFFFE0];
	s24 =	sadd.s32 $0x4, s24;
	v11 =	vsel vm0, $0x3F800000, v3;
	v7 =	vnsel vm0, $0x0, v7  }
0xd1: {  	p1 =	sgt.s32 s24, s22;
	v8 =	vadd.f32 v11, v8;
	v9 =	vadd.f32 v7, v9;
	vm0 =	vgt.f32 v5, v4  }
0xd2: {  	v7 =	vld [tilespmem:s25+$0xFFFFFFF0];
	v11 =	vsel vm0, $0x3F800000, v3;
	v5 =	vnsel vm0, $0x0, v5  }
.Ltmp13:
0xd3: {  	v8 =	vadd.f32 v11, v8;
	v9 =	vadd.f32 v5, v9;
	vm0 =	vgt.f32 v6, v4;
	(pc) =	sbr.rel @!p1 .LBB2_30-.Ltmp13, $4  }
0xd4: {  	v5 =	vld [tilespmem:s25+$0x0];
	v11 =	vsel vm0, $0x3F800000, v3;
	v6 =	vnsel vm0, $0x0, v6  }
0xd5: {  	vm0 =	vgt.f32 v10, v4;
	v8 =	vadd.f32 v11, v8;
	v9 =	vadd.f32 v6, v9  }
0xd6: {  	v11 =	vsel vm0, $0x3F800000, v3;
	v10 =	vnsel vm0, $0x0, v10;
	v6 =	vld [tilespmem:s25+$0x10]  }
0xd7: {  	s25 =	sadd.s32 $0x40, s25;
	v8 =	vadd.f32 v11, v8;
	v9 =	vadd.f32 v10, v9;
	vm0 =	vgt.f32 v7, v4  }
.LBB2_31:
0xd8: {  	v10 =	vsel vm0, $0x3F800000, v3  }
0xd9: {  	v7 =	vnsel vm0, $0x0, v7;
	v8 =	vadd.f32 v10, v8;
	vm14 =	vgt.f32 v5, v4  }
.Ltmp14:
0xda: {  	v7 =	vadd.f32 v7, v9;
	v62 =	vsel vm14, $0x3F800000, v3;
	(pc) =	sbr.rel .LBB2_20-.Ltmp14, $4  }
0xdb: {  	v5 =	vnsel vm14, $0x0, v5;
	v8 =	vadd.f32 v62, v8;
	vm15 =	vgt.f32 v6, v4  }
0xdc: {  	v5 =	vadd.f32 v5, v7;
	v4 =	vsel vm15, $0x3F800000, v3  }
0xdd: {  	v6 =	vnsel vm15, $0x0, v6;
	v4 =	vadd.f32 v4, v8  }
0xde: {  	v5 =	vadd.f32 v6, v5  }
.LBB2_21:
0xdf: {  	p0 =	seq.s32 s19, $0x0  }
0xe0: {  	s22 =	simm.s32 @!p0 $0x2  }
0xe1: {  	s21 =	sshll.u32 s21, $0x2;
	_ =	swait.ge @!p0 [sflag:s22], $0x8000  }
0xe2: {  	s21 =	sshra.s32 s21, $0x2;
	[sflag:s22] =	ssyncset.done @!p0 $0x0  }
0xe3: {  	s31 =	sadd.s32 $0x400, s21;
	[sflag:s22] =	ssyncadd.s32 @!p0 $0xFFFF8000;
	p0 =	seq.s32 s19, $0x2  }
0xe4: {  	_ =	swait.ge [sflag:s12], $0x8000;
	p1 =	seq.s32 @!p0 s19, $0x0;
	s22 =	sadd.s32 @!p0 s19, s7  }
0xe5: {  	s23 =	sshll.u32 @!p0 s19, $0x11;
	s25 =	simm.s32 @!p0 $0x400;
	[sflag:s12] =	ssyncset.done $0x0  }
0xe6: {  	s24 =	sshll.u32 @!p0 s22, $0x4;
	s23 =	sadd.s32 @!p0 $0xFFFE0000, s23;
	p1 =	por !p1, p0  }
0xe7: {  	s22 =	sshll.u32 @!p0 s22, $0xC;
	[sflag:s12] =	ssyncadd.s32 $0xFFFF8000;
	s24 =	sand.u32 @!p0 $0x70, s24  }
0xe8: {  	s23 =	simm.s32 @!p1 $0x40000;
	s22 =	sand.u32 @!p0 $0xF8000, s22;
	s24 =	sadd.s32 @!p0 s1, s24  }
0xe9: {  	s23 =	sshra.s32 @!p0 s23, $0x2;
	s22 =	sadd.s32 @!p0 s22, s24;
	s24 =	simm.s32 @!p0 $0x80  }
0xea: {  	[tilespmem:s23], [sflag:$0x1] =	stream.strided.gather @!p0 [hbm4b:s22+s24], $0x8000, s25, s24, $0x38;
	v63 =	vld [tilespmem:$0x0]  }
0xeb: {  	v7 =	vld [tilespmem:s31+$0xFFFFFC00]  }
0xec: {  	v8 =	vld [tilespmem:s31+$0xFFFFFD00]  }
0xed: {  	v9 =	vld [tilespmem:s31+$0xFFFFFE00]  }
0xee: {  	v5 =	vld [tilespmem:s31+$0xFFFFFF00]  }
0xef: {  	v10 =	vimm.f32 $-3.000000010e+38;
	v6 =	vld [tilespmem:s31+$0x0]  }
0xf0: {  	v10 =	vmax.f32 v10, v7;
	v7 =	vld [tilespmem:s31+$0x100]  }
0xf1: {  	v10 =	vmax.f32 v10, v8;
	v8 =	vld [tilespmem:s31+$0x200]  }
0xf2: {  	s22 =	simm.s32 $0x0;
	s23 =	sadd.s32 $0x800, s31;
	v10 =	vmax.f32 v10, v9;
	v9 =	vld [tilespmem:s31+$0x300]  }
.LBB2_22:
0xf3: {  	v11 =	vld [tilespmem:s23+$0xFFFFFC00];
	s22 =	sadd.s32 $0x8, s22;
	v5 =	vmax.f32 v10, v5  }
0xf4: {  	v10 =	vld [tilespmem:s23+$0xFFFFFD00];
	p0 =	slt.u32 s22, $0x78;
	v5 =	vmax.f32 v5, v6  }
0xf5: {  	v12 =	vld [tilespmem:s23+$0xFFFFFE00];
	v6 =	vmax.f32 v5, v7  }
.Ltmp15:
0xf6: {  	v5 =	vld [tilespmem:s23+$0xFFFFFF00];
	v7 =	vmax.f32 v6, v8;
	(pc) =	sbr.rel @p0 .LBB2_22-.Ltmp15, $4  }
0xf7: {  	v6 =	vld [tilespmem:s23+$0x0];
	v7 =	vmax.f32 v7, v9  }
0xf8: {  	v8 =	vmax.f32 v7, v11;
	v7 =	vld [tilespmem:s23+$0x100]  }
0xf9: {  	v9 =	vmax.f32 v8, v10;
	v8 =	vld [tilespmem:s23+$0x200]  }
0xfa: {  	v10 =	vmax.f32 v9, v12;
	v9 =	vld [tilespmem:s23+$0x300];
	s23 =	sadd.s32 $0x800, s23  }
0xfb: {  	v5 =	vmax.f32 v10, v5  }
0xfc: {  	v5 =	vmax.f32 v5, v6;
	v6 =	vld [tilespmem:s18+$0xFFFFFFC0]  }
0xfd: {  	v5 =	vmax.f32 v5, v7;
	v7 =	vld [tilespmem:s18+$0xFFFFFFD0]  }
0xfe: {  	v5 =	vmax.f32 v5, v8  }
0xff: {  	v8 =	vld [tilespmem:s18+$0xFFFFFFE0];
	v5 =	vmax.f32 v5, v9  }
0x100: {  	(xrf0) =	vmax.scan.msk.f32 $0xffff, v5;
	v5 =	vld [tilespmem:s18+$0xFFFFFFF0]  }
0x101: {  	v9 =	vld [tilespmem:s18+$0x0]  }
0x102: {  	v10 =	vld [tilespmem:s18+$0x10];
	v6 =	vsub.f32 v6, v4;
	v7 =	vsub.f32 v7, v4  }
0x103: {  	v11 =	vld [tilespmem:s18+$0x20]  }
0x104: {  	v12 =	vld [tilespmem:s18+$0x30];
	s22 =	sadd.s32 $0x80, s18;
	v6 =	vmax.f32 v6, $0.0e+00;
	v8 =	vsub.f32 v8, v4  }
0x105: {  	s21 =	sadd.s32 $0x40, s21;
	v23 =	vld [tilespmem:s22+$0xFFFFFFC0];
	[tilespmem:s18+$0xFFFFFFC0] =	vst v6;
	v6 =	vmax.f32 v7, $0.0e+00;
	v5 =	vsub.f32 v5, v4  }
0x106: {  	v14 =	vld [tilespmem:s21+$0xFFFFFFC0];
	[tilespmem:s18+$0xFFFFFFD0] =	vst v6;
	v6 =	vmax.f32 v8, $0.0e+00;
	v8 =	vsub.f32 v9, v4;
	v7, _, _ =	vpop (xrf0)  }
0x107: {  	v15 =	vld [tilespmem:s21+$0xFFFFFFD0];
	[tilespmem:s18+$0xFFFFFFE0] =	vst v6;
	v6 =	vsub.f32 v10, v4;
	v7 =	vperm.xlane v7, v1;
	v5 =	vmax.f32 v5, $0.0e+00  }
0x108: {  	v10 =	vsub.f32 v11, v4;
	v9 =	vld [tilespmem:s21+$0xFFFFFFE0];
	[tilespmem:s18+$0xFFFFFFF0] =	vst v5;
	v5 =	vmax.f32 v8, $0.0e+00  }
0x109: {  	v11 =	vsub.f32 v12, v4;
	v6 =	vmax.f32 v6, $0.0e+00;
	v8 =	vadd.f32 $-1.000000000e+00, v7;
	v7 =	vld [tilespmem:s21+$0xFFFFFFF0];
	[tilespmem:s18+$0x0] =	vst v5  }
0x10a: {  	v10 =	vmax.f32 v10, $0.0e+00;
	[tilespmem:s18+$0x10] =	vst v6;
	v5 =	vld [tilespmem:s21+$0x0]  }
0x10b: {  	v11 =	vmax.f32 v11, $0.0e+00;
	[tilespmem:s18+$0x20] =	vst v10;
	v6 =	vld [tilespmem:s21+$0x10];
	vm6 =	vgt.f32 v14, v8  }
0x10c: {  	[tilespmem:s18+$0x30] =	vst v11;
	v10 =	vld [tilespmem:s21+$0x20];
	vm5 =	vgt.f32 v15, v8;
	(xrf0) =	vadd.scan.msk.s32 vm6, v2  }
0x10d: {  	v61 =	vsub.f32 v23, v4;
	v27 =	vld [tilespmem:s21+$0x30];
	v13 =	vmpcnt.ones.xlane vm6;
	vm0 =	vgt.f32 v9, v8;
	(xrf0) =	vadd.scan.msk.s32 vm5, v2  }
0x10e: {  	v12 =	vimm.s32 $0xFFFFFFFF;
	v11 =	vmpcnt.ones.xlane vm5;
	vm4 =	vgt.f32 v7, v8;
	(xrf0) =	vadd.scan.msk.s32 vm0, v2  }
0x10f: {  	v16 =	vmpcnt.ones.xlane vm0;
	v13 =	vadd.s32 v12, v13;
	vm3 =	vgt.f32 v5, v8;
	(xrf0) =	vadd.scan.msk.s32 vm4, v2  }
0x110: {  	v11 =	vadd.s32 v13, v11;
	v17 =	vmpcnt.ones.xlane vm4;
	vm1 =	vgt.f32 v6, v8;
	(xrf0) =	vadd.scan.msk.s32 vm3, v2  }
0x111: {  	vm2 =	vgt.f32 v10, v8;
	v16 =	vadd.s32 v11, v16;
	v18 =	vmpcnt.ones.xlane vm3;
	(xrf0) =	vadd.scan.msk.s32 vm1, v2  }
0x112: {  	vm8 =	vgt.f32 v27, v8;
	v19 =	vmpcnt.ones.xlane vm1;
	v17 =	vadd.s32 v16, v17;
	v21, _, _ =	vpop (xrf0);
	(xrf0) =	vadd.scan.msk.s32 vm2, v2  }
0x113: {  	v20 =	vmpcnt.ones.xlane vm2;
	v18 =	vadd.s32 v17, v18;
	v21 =	vadd.s32 v12, v21;
	v12, _, _ =	vpop (xrf0)  }
0x114: {  	v22 =	vmpcnt.ones.xlane vm8;
	v19 =	vadd.s32 v18, v19;
	(xrf0) =	vadd.scan.msk.s32 vm8, v2;
	v13 =	vadd.s32 v13, v12;
	v12, _, _ =	vpop (xrf0)  }
0x115: {  	vm7 =	vlt.s32 v21, $0x7F70;
	v20 =	vadd.s32 v19, v20;
	vm9 =	vlt.s32 v13, $0x7F70;
	v24, _, _ =	vpop (xrf0)  }
0x116: {  	v11 =	vadd.s32 v11, v12;
	v12 =	vadd.s32 v20, v22;
	v22 =	vld [tilespmem:s22+$0xFFFFFFD0];
	v21 =	vnsel vm7, $0x7F70, v21;
	v25, _, _ =	vpop (xrf0)  }
0x117: {  	vm7 =	vlt.s32 v11, $0x7F70;
	v16 =	vadd.s32 v16, v24;
	v24 =	vld [tilespmem:s22+$0xFFFFFFE0];
	v26 =	vnsel vm9, $0x7F70, v13;
	v13, _, _ =	vpop (xrf0)  }
0x118: {  	v17 =	vadd.s32 v17, v25;
	vm14 =	vlt.s32 v16, $0x7F70;
	v25 =	vld [tilespmem:s22+$0xFFFFFFF0];
	v11 =	vnsel vm7, $0x7F70, v11;
	v28, _, _ =	vpop (xrf0)  }
0x119: {  	v29 =	vld [tilespmem:s22+$0x0];
	v18 =	vadd.s32 v18, v13;
	v13 =	vnsel vm14, $0x7F70, v16;
	v16 =	vadd.s32 v19, v28  }
0x11a: {  	v30 =	vld [tilespmem:s22+$0x10];
	vm7 =	vlt.s32 v17, $0x7F70;
	vm15 =	vlt.s32 v18, $0x7F70;
	v19, _, _ =	vpop (xrf0);
	vm10 =	vlt.s32 v16, $0x7F70  }
0x11b: {  	v19 =	vadd.s32 v20, v19;
	v20 =	vsub.f32 v22, v4;
	v22 =	vld [tilespmem:s22+$0x20];
	[tilespmem:v21+s14+$0x0] =	vst.idx.msk vm6, v14;
	v14 =	vmax.f32 v61, $0.0e+00  }
0x11c: {  	v23 =	vnsel vm10, $0x7F70, v16;
	vm6 =	vlt.s32 v19, $0x7F70;
	v16 =	vsub.f32 v24, v4;
	v24 =	vld [tilespmem:s22+$0x30];
	[tilespmem:v26+s14+$0x0] =	vst.idx.msk vm5, v15  }
0x11d: {  	s23 =	sadd.s32 $0x80, s21;
	[tilespmem:s22+$0xFFFFFFC0] =	vst v14;
	v62 =	vnsel vm6, $0x7F70, v19;
	v15 =	vmax.f32 v20, $0.0e+00;
	v19 =	vsub.f32 v25, v4  }
0x11e: {  	v21 =	vnsel vm15, $0x7F70, v18;
	v14 =	vld [tilespmem:s23+$0xFFFFFFC0];
	v25 =	vsub.f32 v29, v4;
	[tilespmem:s22+$0xFFFFFFD0] =	vst v15;
	v16 =	vmax.f32 v16, $0.0e+00  }
0x11f: {  	vm5 =	vmmov vm4;
	v15 =	vld [tilespmem:s23+$0xFFFFFFD0];
	[tilespmem:s22+$0xFFFFFFE0] =	vst v16;
	v16 =	vmax.f32 v19, $0.0e+00;
	v19 =	vsub.f32 v30, v4  }
0x120: {  	v20 =	vnsel vm7, $0x7F70, v17;
	v17 =	vld [tilespmem:s23+$0xFFFFFFE0];
	[tilespmem:s22+$0xFFFFFFF0] =	vst v16;
	v16 =	vmax.f32 v25, $0.0e+00;
	v22 =	vsub.f32 v22, v4  }
0x121: {  	vm4 =	vmmov vm3;
	v18 =	vld [tilespmem:s23+$0xFFFFFFF0];
	[tilespmem:s22+$0x0] =	vst v16;
	v16 =	vmax.f32 v19, $0.0e+00;
	v24 =	vsub.f32 v24, v4  }
0x122: {  	vm3 =	vmmov vm1;
	vm7 =	vmmov vm2;
	v19 =	vld [tilespmem:s23+$0x0];
	[tilespmem:s22+$0x10] =	vst v16;
	v16 =	vmax.f32 v22, $0.0e+00  }
0x123: {  	vm6 =	vmmov vm0;
	vm1 =	vgt.f32 v14, v8;
	v22 =	vld [tilespmem:s23+$0x10];
	[tilespmem:s22+$0x20] =	vst v16;
	v16 =	vmax.f32 v24, $0.0e+00  }
0x124: {  	s31 =	sshll.u32 s19, $0x11;
	v25 =	vmpcnt.ones.xlane vm1;
	(xrf0) =	vadd.scan.msk.s32 vm1, v2;
	vm2 =	vgt.f32 v15, v8;
	v24 =	vld [tilespmem:s23+$0x20];
	[tilespmem:s22+$0x30] =	vst v16  }
0x125: {  	s24 =	simm.s32 $0x8;
	s21 =	sshra.s32 s31, $0x2;
	[tilespmem:v62+s14+$0x0] =	vst.idx.msk vm8, v27;
	v26 =	vmpcnt.ones.xlane vm2;
	vm0 =	vgt.f32 v17, v8;
	v16 =	vld [tilespmem:s23+$0x30];
	(xrf0) =	vadd.scan.msk.s32 vm2, v2  }
.LBB2_24:
0x126: {  	s24 =	sadd.s32 $0x8, s24;
	v25 =	vadd.s32 v12, v25;
	v27 =	vmpcnt.ones.xlane vm0;
	vm11 =	vgt.f32 v18, v8;
	(xrf0) =	vadd.scan.msk.s32 vm0, v2  }
0x127: {  	p0 =	slt.u32 s24, $0x7F8;
	v26 =	vadd.s32 v25, v26;
	v28 =	vmpcnt.ones.xlane vm11;
	vm12 =	vgt.f32 v19, v8;
	(xrf0) =	vadd.scan.msk.s32 vm11, v2  }
0x128: {  	v27 =	vadd.s32 v26, v27;
	v29 =	vmpcnt.ones.xlane vm12;
	vm9 =	vgt.f32 v22, v8;
	(xrf0) =	vadd.scan.msk.s32 vm12, v2  }
0x129: {  	v28 =	vadd.s32 v27, v28;
	v30 =	vmpcnt.ones.xlane vm9;
	vm10 =	vgt.f32 v24, v8;
	(xrf0) =	vadd.scan.msk.s32 vm9, v2  }
0x12a: {  	v29 =	vadd.s32 v28, v29;
	v31 =	vmpcnt.ones.xlane vm10;
	vm8 =	vgt.f32 v16, v8;
	v32, _, _ =	vpop (xrf0);
	(xrf0) =	vadd.scan.msk.s32 vm10, v2  }
0x12b: {  	v32 =	vadd.s32 v12, v32;
	v30 =	vadd.s32 v29, v30;
	v12 =	vmpcnt.ones.xlane vm8;
	v33, _, _ =	vpop (xrf0);
	(xrf0) =	vadd.scan.msk.s32 vm8, v2  }
0x12c: {  	s22 =	sadd.s32 $0x80, s22;
	vm13 =	vlt.s32 v32, $0x7F70;
	v25 =	vadd.s32 v25, v33;
	v31 =	vadd.s32 v30, v31;
	v33, _, _ =	vpop (xrf0);
	[tilespmem:v23+s14+$0x0] =	vst.idx.msk vm7, v10  }
0x12d: {  	v10 =	vld [tilespmem:s22+$0xFFFFFFC0];
	vm7 =	vlt.s32 v25, $0x7F70;
	v23 =	vadd.s32 v26, v33;
	v12 =	vadd.s32 v31, v12;
	v26, _, _ =	vpop (xrf0);
	[tilespmem:v11+s14+$0x0] =	vst.idx.msk vm6, v9  }
0x12e: {  	v32 =	vnsel vm13, $0x7F70, v32;
	v33 =	vld [tilespmem:s22+$0xFFFFFFD0];
	vm6 =	vlt.s32 v23, $0x7F70;
	v9 =	vadd.s32 v27, v26;
	v11, _, _ =	vpop (xrf0);
	[tilespmem:v13+s14+$0x0] =	vst.idx.msk vm5, v7  }
0x12f: {  	v25 =	vnsel vm7, $0x7F70, v25;
	v26 =	vld [tilespmem:s22+$0xFFFFFFE0];
	vm5 =	vlt.s32 v9, $0x7F70;
	v27 =	vadd.s32 v28, v11;
	v7, _, _ =	vpop (xrf0);
	[tilespmem:v20+s14+$0x0] =	vst.idx.msk vm4, v5  }
0x130: {  	v11 =	vnsel vm6, $0x7F70, v23;
	v20 =	vld [tilespmem:s22+$0xFFFFFFF0];
	vm4 =	vlt.s32 v27, $0x7F70;
	v28 =	vadd.s32 v29, v7;
	v5, _, _ =	vpop (xrf0);
	[tilespmem:v21+s14+$0x0] =	vst.idx.msk vm3, v6  }
0x131: {  	v13 =	vnsel vm5, $0x7F70, v9;
	v21 =	vld [tilespmem:s22+$0x0];
	vm3 =	vlt.s32 v28, $0x7F70;
	v30 =	vadd.s32 v30, v5;
	v6, _, _ =	vpop (xrf0)  }
0x132: {  	v7 =	vmovc v18;
	v9 =	vmovc v17;
	v34 =	vsub.f32 v10, v4;
	v29 =	vld [tilespmem:s22+$0x10];
	vm5 =	vlt.s32 v30, $0x7F70;
	v31 =	vadd.s32 v31, v6  }
0x133: {  	v5 =	vmovc v19;
	v17 =	vsub.f32 v33, v4;
	v18 =	vld [tilespmem:s22+$0x20];
	[tilespmem:v32+s14+$0x0] =	vst.idx.msk vm1, v14;
	v23 =	vnsel vm5, $0x7F70, v30;
	vm1 =	vlt.s32 v31, $0x7F70  }
0x134: {  	v6 =	vmovc v22;
	v14 =	vmax.f32 v34, $0.0e+00;
	v19 =	vsub.f32 v26, v4;
	v26 =	vld [tilespmem:s22+$0x30];
	[tilespmem:v25+s14+$0x0] =	vst.idx.msk vm2, v15;
	v30 =	vnsel vm1, $0x7F70, v31  }
0x135: {  	s23 =	sadd.s32 $0x80, s23;
	v10 =	vmovc v24;
	[tilespmem:s22+$0xFFFFFFC0] =	vst v14;
	v15 =	vmax.f32 v17, $0.0e+00;
	v17 =	vsub.f32 v20, v4;
	v20 =	vnsel vm4, $0x7F70, v27  }
0x136: {  	v14 =	vld [tilespmem:s23+$0xFFFFFFC0];
	[tilespmem:s22+$0xFFFFFFD0] =	vst v15;
	v19 =	vmax.f32 v19, $0.0e+00;
	v22 =	vsub.f32 v21, v4;
	v21 =	vnsel vm3, $0x7F70, v28  }
0x137: {  	vm5 =	vmmov vm11;
	v15 =	vld [tilespmem:s23+$0xFFFFFFD0];
	[tilespmem:s22+$0xFFFFFFE0] =	vst v19;
	v19 =	vmax.f32 v17, $0.0e+00;
	v24 =	vsub.f32 v29, v4  }
0x138: {  	vm4 =	vmmov vm12;
	v17 =	vld [tilespmem:s23+$0xFFFFFFE0];
	[tilespmem:s22+$0xFFFFFFF0] =	vst v19;
	v19 =	vmax.f32 v22, $0.0e+00;
	v22 =	vsub.f32 v18, v4  }
.Ltmp16:
0x139: {  	vm3 =	vmmov vm9;
	v18 =	vld [tilespmem:s23+$0xFFFFFFF0];
	[tilespmem:s22+$0x0] =	vst v19;
	v24 =	vmax.f32 v24, $0.0e+00;
	v25 =	vsub.f32 v26, v4;
	(pc) =	sbr.rel @p0 .LBB2_24-.Ltmp16, $4  }
0x13a: {  	vm7 =	vmmov vm10;
	vm6 =	vmmov vm0;
	v19 =	vld [tilespmem:s23+$0x0];
	[tilespmem:s22+$0x10] =	vst v24;
	v24 =	vmax.f32 v22, $0.0e+00  }
0x13b: {  	vm1 =	vgt.f32 v14, v8;
	v22 =	vld [tilespmem:s23+$0x10];
	[tilespmem:s22+$0x20] =	vst v24;
	v26 =	vmax.f32 v25, $0.0e+00  }
0x13c: {  	v25 =	vmpcnt.ones.xlane vm1;
	vm2 =	vgt.f32 v15, v8;
	v24 =	vld [tilespmem:s23+$0x20];
	[tilespmem:s22+$0x30] =	vst v26;
	(xrf0) =	vadd.scan.msk.s32 vm1, v2  }
0x13d: {  	v26 =	vmpcnt.ones.xlane vm2;
	vm0 =	vgt.f32 v17, v8;
	(xrf0) =	vadd.scan.msk.s32 vm2, v2;
	[tilespmem:v30+s14+$0x0] =	vst.idx.msk vm8, v16;
	v16 =	vld [tilespmem:s23+$0x30]  }
0x13e: {  	v4 =	vadd.s32 v12, v25;
	v49 =	vmpcnt.ones.xlane vm0;
	vm10 =	vgt.f32 v18, v8  }
0x13f: {  	v26 =	vadd.s32 v4, v26;
	v27 =	vmpcnt.ones.xlane vm10;
	vm8 =	vgt.f32 v19, v8  }
0x140: {  	v25 =	vadd.s32 v26, v49;
	v28 =	vmpcnt.ones.xlane vm8;
	vm9 =	vgt.f32 v22, v8  }
0x141: {  	v27 =	vadd.s32 v25, v27;
	v29 =	vmpcnt.ones.xlane vm9;
	vm12 =	vgt.f32 v24, v8  }
0x142: {  	v28 =	vadd.s32 v27, v28;
	v30 =	vmpcnt.ones.xlane vm12;
	vm11 =	vgt.f32 v16, v8  }
0x143: {  	v50 =	vadd.s32 v28, v29;
	v51 =	vmpcnt.ones.xlane vm11  }
0x144: {  	(xrf0) =	vadd.scan.msk.s32 vm0, v2;
	v30 =	vadd.s32 v50, v30  }
0x145: {  	(xrf0) =	vadd.scan.msk.s32 vm10, v2;
	v29 =	vadd.s32 v30, v51  }
0x146: {  	(xrf0) =	vadd.scan.msk.s32 vm8, v2;
	(v2sf) =	vpush v29, $0x0  }
0x147: {  	(xrf0) =	vadd.scan.msk.s32 vm9, v2  }
0x148: {  	v31, _, _ =	vpop (xrf0);
	(xrf0) =	vadd.scan.msk.s32 vm12, v2  }
0x149: {  	v32, _, _ =	vpop (xrf0)  }
0x14a: {  	vm0 =	vmmov vm0;
	(xrf0) =	vadd.scan.msk.s32 vm11, v2;
	v53 =	vadd.s32 v12, v31;
	v33, _, _ =	vpop (xrf0)  }
0x14b: {  	vm12 =	vmmov vm12;
	v4 =	vadd.s32 v4, v32;
	vm13 =	vlt.s32 v53, $0x7F70;
	v52, _, _ =	vpop (xrf0)  }
0x14c: {  	[tilespmem:v23+s14+$0x0] =	vst.idx.msk vm7, v10;
	v26 =	vadd.s32 v26, v33;
	v12 =	vnsel vm13, $0x7F70, v53;
	vm13 =	vlt.s32 v4, $0x7F70;
	v34, _, _ =	vpop (xrf0)  }
0x14d: {  	[tilespmem:v11+s14+$0x0] =	vst.idx.msk vm6, v9;
	v25 =	vadd.s32 v25, v52;
	vm7 =	vlt.s32 v26, $0x7F70;
	v4 =	vnsel vm13, $0x7F70, v4;
	v54, _, _ =	vpop (xrf0)  }
0x14e: {  	[tilespmem:v13+s14+$0x0] =	vst.idx.msk vm5, v7;
	vm6 =	vlt.s32 v25, $0x7F70;
	v60 =	vnsel vm7, $0x7F70, v26;
	v55, _, _ =	vpop (xrf0);
	v61 =	vadd.s32 v28, v54  }
0x14f: {  	[tilespmem:v20+s14+$0x0] =	vst.idx.msk vm4, v5;
	v62 =	vnsel vm6, $0x7F70, v25;
	v8 =	vadd.s32 v50, v55;
	vm14 =	vlt.s32 v61, $0x7F70  }
0x150: {  	[tilespmem:v21+s14+$0x0] =	vst.idx.msk vm3, v6;
	v59 =	vadd.s32 v27, v34;
	v56, _, _ =	vpop (xrf0);
	vm5 =	vlt.s32 v8, $0x7F70;
	v6 =	vnsel vm14, $0x7F70, v61  }
0x151: {  	vm15 =	vlt.s32 v59, $0x7F70;
	v57 =	vadd.s32 v30, v56;
	[tilespmem:v12+s14+$0x0] =	vst.idx.msk vm1, v14;
	v5 =	vnsel vm5, $0x7F70, v8  }
0x152: {  	vm13 =	vlt.s32 v57, $0x7F70;
	[tilespmem:v4+s14+$0x0] =	vst.idx.msk vm2, v15;
	v4 =	vnsel vm15, $0x7F70, v59  }
0x153: {  	v58 =	vnsel vm13, $0x7F70, v57;
	[tilespmem:v60+s14+$0x0] =	vst.idx.msk vm0, v17  }
0x154: {  	[tilespmem:v62+s14+$0x0] =	vst.idx.msk vm10, v18  }
0x155: {  	[tilespmem:v6+s14+$0x0] =	vst.idx.msk vm9, v22;
	s22 =	spop (v2sf)  }
0x156: {  	[tilespmem:v5+s14+$0x0] =	vst.idx.msk vm12, v24;
	s22 =	sadd.s32 $0x1, s22  }
0x157: {  	[tilespmem:v4+s14+$0x0] =	vst.idx.msk vm8, v19;
	p0 =	slt.s32 s22, $0x7F70  }
0x158: {  	[tilespmem:v58+s14+$0x0] =	vst.idx.msk vm11, v16;
	s22 =	simm.s32 @!p0 $0x7F70  }
0x159: {  	p0 =	sne.s32 s20, $0x3;
	[tilespmem:s22+$0x18000] =	vst v0  }
.Ltmp17:
0x15a: {  	s19 =	sadd.s32 s4, s19;
	[tilespmem:s22+$0x18010] =	vst v0;
	(pc) =	sbr.rel @p0 .LBB2_6-.Ltmp17, $4  }
.Ltmp18:
0x15b: {  	s19 =	sshll.u32 s19, $0x4;
	[tilespmem:s22+$0x18020] =	vst v0;
	(pc) =	sbr.rel @!p0 .LBB2_26-.Ltmp18, $4  }
0x15c: {  	s19 =	sadd.s32 s19, s8;
	[tilespmem:s22+$0x18030] =	vst v0  }
0x15d: {  	[hbm4b:s19+s11] =	stream.strided.scatter [tilespmem:s21], [sflag:$0x2], $0x8000, s15, s11, $0x38;
	v63 =	vld [tilespmem:$0x0]  }
0x15e: {  	s18 =	sadd.s32 $0x8000, s18;
	vm7 =	vmmov vm10;
	vm15 =	vmmov vm9;
	vm13 =	vmmov vm8;
	s19 =	smov.u32 s20  }
0x15f: {  	_ = 	snop  }
.LBB2_8:
.Ltmp19:
0x160: {  	(pc) =	sbr.rel .LBB2_14-.Ltmp19, $2  }
0x161: {  	_ =	sdelay $0x2  }
0x162: {  	_ = 	snop  }
.LBB2_11:
.Ltmp20:
0x163: {  	(pc) =	sbr.rel .LBB2_14-.Ltmp20, $2  }
0x164: {  	_ =	sdelay $0x2  }
0x165: {  	s23 =	simm.s32 $0x18060;
	v9 =	vmov v8  }
.LBB2_26:
0x166: {  	s18 =	sshra.s32 s22, $0x4  }
0x167: {  	p0 =	slt.s32 s18, $0x0  }
.Ltmp21:
0x168: {  	_ = 	snop;
	(pc) =	sbr.rel @p0 .LBB2_32-.Ltmp21, $1  }
0x169: {  	_ =	sdelay $0x3  }
0x16a: {  	s19 =	sand.u32 $0xFFFFFFFC, s18  }
0x16b: {  	p1 =	slt.s32 s19, $0x4  }
.Ltmp22:
0x16c: {  	_ = 	snop;
	(pc) =	sbr.rel @p1 .LBB2_28-.Ltmp22, $4  }
0x16d: {  	s21 =	simm.s32 $0x18020  }
0x16e: {  	v9 =	vld [tilespmem:s21+$0x0]  }
0x16f: {  	v5 =	vld [tilespmem:s21+$0xFFFFFFE0]  }
0x170: {  	v4 =	vimm.f32 $-3.000000010e+38;
	s20 =	simm.s32 $0x18060;
	p0 =	por $0x0, $0x0;
	v6 =	vld [tilespmem:s21+$0xFFFFFFF0]  }
0x171: {  	p1 =	slt.s32 s19, $0x8  }
.Ltmp23:
0x172: {  	_ = 	snop;
	(pc) =	sbr.rel @p1 .LBB2_34-.Ltmp23, $4  }
0x173: {  	v7 =	vld [tilespmem:s21+$0x10]  }
0x174: {  	v8 =	vld [tilespmem:s20+$0x0];
	v10 =	vmax.f32 v4, v5  }
0x175: {  	v5 =	vld [tilespmem:s20+$0xFFFFFFE0];
	v10 =	vmax.f32 v10, v6  }
0x176: {  	s21 =	simm.s32 $0x8;
	s22 =	simm.s32 $0x180A0;
	p0 =	por $0x1, $0x1;
	v6 =	vld [tilespmem:s20+$0xFFFFFFF0];
	v10 =	vmax.f32 v10, v9  }
.LBB2_35:
0x177: {  	s21 =	sadd.s32 $0x4, s21  }
0x178: {  	v9 =	vld [tilespmem:s22+$0x0];
	v10 =	vmax.f32 v10, v7;
	p1 =	sgt.s32 s21, s19  }
.Ltmp24:
0x179: {  	v7 =	vld [tilespmem:s20+$0x10];
	s20 =	smov.u32 s22;
	(pc) =	sbr.rel @!p1 .LBB2_35-.Ltmp24, $4  }
0x17a: {  	_ = 	snop  }
0x17b: {  	v10 =	vmax.f32 v10, v5  }
0x17c: {  	v5 =	vld [tilespmem:s22+$0xFFFFFFE0];
	v10 =	vmax.f32 v10, v6  }
0x17d: {  	s22 =	sadd.s32 $0x40, s22;
	v6 =	vld [tilespmem:s20+$0xFFFFFFF0];
	v10 =	vmax.f32 v10, v8;
	v8 =	vmov v9  }
0x17e: {  	s21 =	smov.u32 s20;
	v9 =	vmov v8  }
.LBB2_37:
0x17f: {  	v7 =	vmax.f32 @p0 v10, v7;
	v8 =	vld [tilespmem:s21+$0x10]  }
0x180: {  	v4 =	vpsel p0, v7, v4  }
0x181: {  	v4 =	vmax.f32 v4, v5  }
0x182: {  	v4 =	vmax.f32 v4, v6  }
0x183: {  	v4 =	vmax.f32 v4, v9  }
0x184: {  	v4 =	vmax.f32 v4, v8  }
0x185: {  	(xrf0) =	vmax.scan.msk.f32 $0xffff, v4;
	_ =	sdelay $0x4  }
0x186: {  	s19 =	simm.s32 $0x18000  }
0x187: {  	v6 =	vld [tilespmem:s19+$0x0];
	v4, _, _ =	vpop (xrf0)  }
0x188: {  	v4 =	vperm.xlane v4, v1;
	_ =	sdelay $0x1  }
0x189: {  	v4 =	vadd.f32 $-1.000000000e+00, v4;
	_ =	sdelay $0x1  }
0x18a: {  	vm0 =	vgt.f32 v6, v4  }
0x18b: {  	(xrf0) =	vadd.scan.msk.s32 vm0, v2  }
0x18c: {  	s18 =	sor.u32 $0x3, s18  }
0x18d: {  	p0 =	sgt.s32 s18, $0x0  }
.Ltmp25:
0x18e: {  	_ = 	snop;
	(pc) =	sbr.rel @!p0 .LBB2_39-.Ltmp25, $4  }
0x18f: {  	_ = 	snop  }
0x190: {  	v5 =	vmpcnt.ones.xlane vm0  }
0x191: {  	v7 =	vimm.s32 $0xFFFFFFFF;
	v8, _, _ =	vpop (xrf0)  }
0x192: {  	s20 =	simm.s32 $0x0;
	v5 =	vadd.s32 v7, v5;
	v7 =	vadd.s32 v7, v8  }
.LBB2_38:
0x193: {  	_ =	sdelay $0x3  }
0x194: {  	s20 =	sadd.s32 $0x1, s20;
	[tilespmem:v7+s14+$0x0] =	vst.idx.msk vm0, v6;
	s19 =	sadd.s32 $0x10, s19;
	v7 =	vmov v5  }
0x195: {  	v6 =	vld [tilespmem:s19+$0x0];
	p0 =	slt.s32 s20, s18;
	_ =	sdelay $0x4  }
0x196: {  	vm0 =	vgt.f32 v6, v4  }
0x197: {  	v8 =	vmpcnt.ones.xlane vm0;
	(xrf0) =	vadd.scan.msk.s32 vm0, v2;
	_ =	sdelay $0x1  }
0x198: {  	v5 =	vadd.s32 v5, v8  }
.Ltmp26:
0x199: {  	(pc) =	sbr.rel @p0 .LBB2_38-.Ltmp26, $3  }
0x19a: {  	_ =	sdelay $0x1  }
0x19b: {  	v8, _, _ =	vpop (xrf0)  }
0x19c: {  	v7 =	vadd.s32 v7, v8  }
.LBB2_39:
0x19d: {  	_ = 	snop  }
.Ltmp27:
0x19e: {  	_ = 	snop;
	(pc) =	sbr.rel .LBB2_40-.Ltmp27, $2  }
0x19f: {  	_ =	sdelay $0x2  }
0x1a0: {  	[tilespmem:v7+s14+$0x0] =	vst.idx.msk vm0, v6  }
.LBB2_32:
0x1a1: {  	v5 =	vimm.s32 $0xFFFFFFFF  }
.LBB2_40:
0x1a2: {  	(v2sf) =	vpush v5, $0x0;
	_ =	sdelay $0xe  }
.Ltmp28:
0x1a3: {  	v4 =	vimm.f32 $-3.000000010e+38;
	s18 =	spop (v2sf);
	(pc) =	sbr.rel .LBB2_41-.Ltmp28, $4  }
0x1a4: {  	[tilespmem:s18+$0x18001] =	vst v4  }
0x1a5: {  	s19 =	sadd.s32 $0x1, s18;
	[tilespmem:s18+$0x18011] =	vst v4  }
0x1a6: {  	[tilespmem:s18+$0x18021] =	vst v4;
	s20 =	sshra.s32 s19, $0x4  }
0x1a7: {  	[tilespmem:s18+$0x18031] =	vst v4;
	s19 =	simm.s32 $0x0;
	s18 =	sand.u32 $0xFFFFFFFC, s20;
	p0 =	slt.s32 s20, $0x0  }
.LBB2_42:
0x1a8: {  	v4 =	vimm.f32 $0.0e+00;
	v5 =	vimm.f32 $0.0e+00  }
.LBB2_43:
0x1a9: {  	(xrf2) =	vadd.scan.msk.f32 $0xffff, v4;
	_ =	sdelay $0x8  }
0x1aa: {  	(xrf2) =	vadd.scan.msk.f32 $0xffff, v5  }
0x1ab: {  	v4, _, _ =	vpop (xrf2)  }
0x1ac: {  	v4 =	vperm.xlane v4, v1;
	_ =	sdelay $0x1  }
0x1ad: {  	v4 =	vmax.f32 v4, $1.000000000e+00  }
0x1ae: {  	(erf) = vrcp.f32 v4;
	_ =	sdelay $0x4  }
0x1af: {  	s19 =	sadd.s32 $0x1, s19;
	v4, _, _ =	vpop (xrf2)  }
0x1b0: {  	p1 =	seq.s32 s19, $0xA;
	v4 =	vperm.xlane v4, v1  }
.Ltmp29:
0x1b1: {  	_ = 	snop;
	(pc) =	sbr.rel @p1 .LBB2_44-.Ltmp29, $3  }
0x1b2: {  	v4 =	vadd.f32 $-1.000000000e+00, v4  }
0x1b3: {  	v5 =	vpop (erf)  }
0x1b4: {  	v4 =	vmul.f32 v5, v4;
	_ =	sdelay $0x1  }
.LBB2_41:
.Ltmp30:
0x1b5: {  	(pc) =	sbr.rel @p0 .LBB2_42-.Ltmp30, $1  }
0x1b6: {  	_ =	sdelay $0x3  }
0x1b7: {  	s21 =	simm.s32 $0x18020  }
0x1b8: {  	v6 =	vld [tilespmem:s21+$0xFFFFFFE0];
	_ =	sdelay $0x1  }
0x1b9: {  	p1 =	slt.s32 s18, $0x4;
	v7 =	vld [tilespmem:s21+$0xFFFFFFF0]  }
.Ltmp31:
0x1ba: {  	_ = 	snop;
	(pc) =	sbr.rel @p1 .LBB2_50-.Ltmp31, $4  }
0x1bb: {  	v5 =	vld [tilespmem:s21+$0x0]  }
0x1bc: {  	vm0 =	vgt.f32 v6, v4  }
0x1bd: {  	v9 =	vimm.f32 $0.0e+00;
	v8 =	vsel vm0, $0x3F800000, v3;
	v10 =	vnsel vm0, $0x0, v6;
	v6 =	vld [tilespmem:s21+$0x10]  }
0x1be: {  	s20 =	simm.s32 $0x4;
	vm0 =	vgt.f32 v7, v4;
	s21 =	simm.s32 $0x18060;
	v8 =	vadd.f32 v8, v9;
	v9 =	vadd.f32 v10, v9  }
.LBB2_49:
0x1bf: {  	v10 =	vld [tilespmem:s21+$0xFFFFFFE0];
	s20 =	sadd.s32 $0x4, s20;
	v11 =	vsel vm0, $0x3F800000, v3;
	v7 =	vnsel vm0, $0x0, v7  }
0x1c0: {  	p1 =	sgt.s32 s20, s18;
	v8 =	vadd.f32 v11, v8;
	v9 =	vadd.f32 v7, v9;
	vm0 =	vgt.f32 v5, v4  }
0x1c1: {  	v7 =	vld [tilespmem:s21+$0xFFFFFFF0];
	v11 =	vsel vm0, $0x3F800000, v3;
	v5 =	vnsel vm0, $0x0, v5  }
.Ltmp32:
0x1c2: {  	v8 =	vadd.f32 v11, v8;
	v9 =	vadd.f32 v5, v9;
	vm0 =	vgt.f32 v6, v4;
	(pc) =	sbr.rel @!p1 .LBB2_49-.Ltmp32, $4  }
0x1c3: {  	v5 =	vld [tilespmem:s21+$0x0];
	v11 =	vsel vm0, $0x3F800000, v3;
	v6 =	vnsel vm0, $0x0, v6  }
0x1c4: {  	vm0 =	vgt.f32 v10, v4;
	v8 =	vadd.f32 v11, v8;
	v9 =	vadd.f32 v6, v9  }
0x1c5: {  	v11 =	vsel vm0, $0x3F800000, v3;
	v10 =	vnsel vm0, $0x0, v10;
	v6 =	vld [tilespmem:s21+$0x10]  }
0x1c6: {  	s21 =	sadd.s32 $0x40, s21;
	v8 =	vadd.f32 v11, v8;
	v9 =	vadd.f32 v10, v9;
	vm0 =	vgt.f32 v7, v4  }
.LBB2_50:
0x1c7: {  	v10 =	vsel vm0, $0x3F800000, v3  }
0x1c8: {  	v7 =	vnsel vm0, $0x0, v7;
	v8 =	vadd.f32 v10, v8;
	vm14 =	vgt.f32 v5, v4  }
.Ltmp33:
0x1c9: {  	v7 =	vadd.f32 v7, v9;
	v62 =	vsel vm14, $0x3F800000, v3;
	(pc) =	sbr.rel .LBB2_43-.Ltmp33, $4  }
0x1ca: {  	v5 =	vnsel vm14, $0x0, v5;
	v8 =	vadd.f32 v62, v8;
	vm15 =	vgt.f32 v6, v4  }
0x1cb: {  	v5 =	vadd.f32 v5, v7;
	v4 =	vsel vm15, $0x3F800000, v3  }
0x1cc: {  	v6 =	vnsel vm15, $0x0, v6;
	v4 =	vadd.f32 v4, v8  }
0x1cd: {  	v5 =	vadd.f32 v6, v5  }
.LBB2_44:
0x1ce: {  	s18 =	simm.s32 $0x40  }
0x1cf: {  	v6 =	vld [tilespmem:s18+$0x30]  }
0x1d0: {  	v8 =	vld [tilespmem:s18+$0xFFFFFFD0]  }
0x1d1: {  	v10 =	vld [tilespmem:s18+$0xFFFFFFE0]  }
0x1d2: {  	v9 =	vld [tilespmem:s18+$0xFFFFFFF0]  }
0x1d3: {  	v7 =	vld [tilespmem:s18+$0x0]  }
0x1d4: {  	v5 =	vld [tilespmem:s18+$0x10];
	v12 =	vsub.f32 v6, v4  }
0x1d5: {  	v6 =	vld [tilespmem:s18+$0x20];
	v11 =	vsub.f32 v8, v4  }
0x1d6: {  	s19 =	simm.s32 $0x0;
	s20 =	simm.s32 $0xC0;
	v8 =	vld [tilespmem:s18+$0xFFFFFFC0];
	v10 =	vsub.f32 v10, v4;
	v12 =	vmax.f32 v12, $0.0e+00  }
.LBB2_45:
0x1d7: {  	v13 =	vld [tilespmem:s20+$0x30];
	s19 =	sadd.s32 $0x8, s19;
	v11 =	vmax.f32 v11, $0.0e+00;
	v9 =	vsub.f32 v9, v4;
	[tilespmem:s18+$0x30] =	vst v12  }
0x1d8: {  	v12 =	vld [tilespmem:s20+$0xFFFFFFD0];
	p0 =	slt.u32 s19, $0x7F8;
	[tilespmem:s18+$0xFFFFFFD0] =	vst v11;
	v10 =	vmax.f32 v10, $0.0e+00;
	v7 =	vsub.f32 v7, v4  }
0x1d9: {  	v14 =	vld [tilespmem:s20+$0xFFFFFFE0];
	[tilespmem:s18+$0xFFFFFFE0] =	vst v10;
	v10 =	vmax.f32 v9, $0.0e+00;
	v5 =	vsub.f32 v5, v4  }
.Ltmp34:
0x1da: {  	v9 =	vld [tilespmem:s20+$0xFFFFFFF0];
	[tilespmem:s18+$0xFFFFFFF0] =	vst v10;
	v10 =	vmax.f32 v7, $0.0e+00;
	v6 =	vsub.f32 v6, v4;
	(pc) =	sbr.rel @p0 .LBB2_45-.Ltmp34, $4  }
0x1db: {  	v7 =	vld [tilespmem:s20+$0x0];
	v8 =	vsub.f32 v8, v4;
	[tilespmem:s18+$0x0] =	vst v10;
	v10 =	vmax.f32 v5, $0.0e+00  }
0x1dc: {  	v5 =	vld [tilespmem:s20+$0x10];
	v13 =	vsub.f32 v13, v4;
	[tilespmem:s18+$0x10] =	vst v10;
	v10 =	vmax.f32 v6, $0.0e+00  }
0x1dd: {  	v11 =	vsub.f32 v12, v4;
	v6 =	vld [tilespmem:s20+$0x20];
	v15 =	vmax.f32 v8, $0.0e+00;
	[tilespmem:s18+$0x20] =	vst v10  }
0x1de: {  	v8 =	vld [tilespmem:s20+$0xFFFFFFC0];
	v10 =	vsub.f32 v14, v4;
	v12 =	vmax.f32 v13, $0.0e+00;
	[tilespmem:s18+$0xFFFFFFC0] =	vst v15;
	s18 =	smov.u32 s20;
	s20 =	sadd.s32 $0x80, s20  }
0x1df: {  	v11 =	vmax.f32 v11, $0.0e+00;
	v9 =	vsub.f32 v9, v4;
	[tilespmem:s18+$0x30] =	vst v12  }
0x1e0: {  	[tilespmem:s18+$0xFFFFFFD0] =	vst v11;
	v10 =	vmax.f32 v10, $0.0e+00;
	v7 =	vsub.f32 v7, v4  }
0x1e1: {  	[tilespmem:s18+$0xFFFFFFE0] =	vst v10;
	v9 =	vmax.f32 v9, $0.0e+00;
	v5 =	vsub.f32 v5, v4  }
0x1e2: {  	[tilespmem:s18+$0xFFFFFFF0] =	vst v9;
	v7 =	vmax.f32 v7, $0.0e+00;
	v6 =	vsub.f32 v6, v4  }
0x1e3: {  	v4 =	vsub.f32 v8, v4;
	[tilespmem:s18+$0x0] =	vst v7;
	v5 =	vmax.f32 v5, $0.0e+00  }
0x1e4: {  	[tilespmem:s18+$0x10] =	vst v5;
	v5 =	vmax.f32 v6, $0.0e+00  }
0x1e5: {  	v4 =	vmax.f32 v4, $0.0e+00;
	[tilespmem:s18+$0x20] =	vst v5  }
0x1e6: {  	s17 =	sadd.s32 $0x1, s17;
	[tilespmem:s18+$0xFFFFFFC0] =	vst v4  }
0x1e7: {  	[hbm4b:s9+s11] =	stream.strided.scatter [tilespmem:s3], [sflag:$0x2], $0x8000, s15, s11, $0x38;
	v63 =	vld [tilespmem:$0x0]  }
0x1e8: {  	p0 =	sne.s32 s17, s10;
	_ =	swait.ge [sflag:s16], $0x8000  }
.Ltmp35:
0x1e9: {  	[sflag:s16] =	ssyncset.done $0x0;
	(pc) =	sbr.rel @p0 .LBB2_1-.Ltmp35, $4  }
.Ltmp36:
0x1ea: {  	[sflag:s16] =	ssyncadd.s32 $0xFFFF8000;
	(pc) =	sbr.rel @!p0 .LBB2_47-.Ltmp36, $4  }
0x1eb: {  	_ =	swait.ge [sflag:s16], $0x8000  }
0x1ec: {  	[sflag:s16] =	ssyncset.done $0x0  }
0x1ed: {  	[sflag:s16] =	ssyncadd.s32 $0xFFFF8000  }
0x1ee: {  	_ = 	snop  }
.LBB2_28:
.Ltmp37:
0x1ef: {  	(pc) =	sbr.rel .LBB2_37-.Ltmp37, $2  }
0x1f0: {  	_ =	sdelay $0x2  }
0x1f1: {  	_ = 	snop  }
.LBB2_34:
.Ltmp38:
0x1f2: {  	(pc) =	sbr.rel .LBB2_37-.Ltmp38, $2  }
0x1f3: {  	_ =	sdelay $0x2  }
0x1f4: {  	s21 =	simm.s32 $0x18060;
	v9 =	vmov v8  }
.LBB2_47:
0x1f5: {  	_ =	sfence.sel $0x180000  }
0x1f6: {  	[bflag:$0x0] =	sbarrier.arrive $0xFFFF  }
0x1f7: {  	p0 =	sne.s32 s2, $0x0;
	_ =	strace $0x90000047  }
0x1f8: {  	s0 =	sadd.s32 @!p0 $0x100000, s0;
	[bflag:$0x2] =	sbarrier.arrive $0xFFFF  }
0x1f9: {  	[sflag:s0] =	ssyncadd.tile.s32 @!p0 $0x1;
	_ =	shalt  }
.Lfunc_end2:
_tile_overlayer_lowered:
.L_overlay_start_2:
0x1fa: {  	(tag) =	ssettag $0x2  }
0x1fb: {  	s0 =	rddreg [dreg:$0x0];
	s2 =	stileid.u32  }
0x1fc: {  	s1 =	rddreg [dreg:$0x1];
	p0 =	sne.s32 s2, $0x0  }
0x1fd: {  	s3 =	rddreg [dreg:$0x2];
	[bflag:$0x3] =	sbarrier.arrive $0xFFFF;
	s2 =	simm.s32 @!p0 $0x1C03  }
0x1fe: {  	[timem:s3], [sflag:s2] =	dma.local @!p0 [hbm:s0], s1  }
0x1ff: {  	s0 =	simm.s32 @!p0 $0x3  }
0x200: {  	_ =	swait.ge @!p0 [sflag:s0], s1  }
0x201: {  	s1 =	ssub.s32 @!p0 $0x0, s1;
	[sflag:s0] =	ssyncset.done @!p0 $0x0  }
0x202: {  	[sflag:s0] =	ssyncadd.s32 @!p0 s1  }
0x203: {  	[bflag:$0x3] =	sbarrier.arrive $0xFFFF  }
0x204: {  	_ =	shalt  }

</sc_bundles>
